<compile_context>
chip_gen: v7x
topology: tpu7x:2x2x1
jax: 0.10.2.dev20260603
libtpu: 0.0.44.dev20260713+nightly
codegen_flags: <defaults>
</compile_context>

<pallas_src>
import functools

import jax
import jax.numpy as jnp
from jax import lax
from jax.experimental import pallas as pl
from jax.experimental.pallas import tpu as pltpu
from jax.experimental.pallas import tpu_sc as plsc

_ROWS = 16384
_COLS = 1000
_NW = 32
_RPW = _ROWS // _NW
_CH = 16
_NCH = _RPW // _CH
_NFULL = (_COLS - 16) // 16


def _sc_body(t_hbm, x_hbm, o_hbm, tv, vin, vout, in_sem, out_sem):
    cid = lax.axis_index("c")
    sid = lax.axis_index("s")
    wid = sid * 2 + cid
    base = wid * _RPW

    pltpu.sync_copy(t_hbm, tv)
    inv = 1.0 / tv[...]

    def in_cp(j, b):
        return pltpu.make_async_copy(
            x_hbm.at[pl.ds(base + j * _CH, _CH), :], vin.at[b], in_sem.at[b]
        )

    def out_cp(j, b):
        return pltpu.make_async_copy(
            vout.at[b], o_hbm.at[pl.ds(base + j * _CH, _CH), :], out_sem.at[b]
        )

    in_cp(0, 0).start()

    def chunk(j, _):
        b = lax.rem(j, 2)

        @pl.when(j + 1 < _NCH)
        def _():
            in_cp(j + 1, 1 - b).start()

        in_cp(j, b).wait()

        @pl.when(j >= 2)
        def _():
            out_cp(j - 2, b).wait()

        def row(r, _):
            for c in range(_NFULL):
                vout[b, r, pl.ds(c * 16, 16)] = vin[b, r, pl.ds(c * 16, 16)] * inv
            vout[b, r, pl.ds(_NFULL * 16, 16)] = (
                vin[b, r, pl.ds(_NFULL * 16, 16)] * inv
            )
            vout[b, r, pl.ds(_COLS - 16, 16)] = vin[b, r, pl.ds(_COLS - 16, 16)] * inv
            return 0

        lax.fori_loop(0, _CH, row, 0)
        out_cp(j, b).start()
        return 0

    lax.fori_loop(0, _NCH, chunk, 0)
    out_cp(_NCH - 2, lax.rem(_NCH - 2, 2)).wait()
    out_cp(_NCH - 1, lax.rem(_NCH - 1, 2)).wait()


def kernel(x, T):
    t16 = jnp.full((16,), T, dtype=jnp.float32)
    mesh = plsc.VectorSubcoreMesh(core_axis_name="c", subcore_axis_name="s")
    f = functools.partial(
        pl.kernel,
        mesh=mesh,
        compiler_params=pltpu.CompilerParams(use_tc_tiling_on_sc=True),
        out_type=jax.ShapeDtypeStruct((_ROWS, _COLS), jnp.float32),
        scratch_types=[
            pltpu.VMEM((16,), jnp.float32),
            pltpu.VMEM((2, _CH, _COLS), jnp.float32),
            pltpu.VMEM((2, _CH, _COLS), jnp.float32),
            pltpu.SemaphoreType.DMA((2,)),
            pltpu.SemaphoreType.DMA((2,)),
        ],
    )(_sc_body)
    return f(t16, x)

# --- scband reference (transcript-rebuilt; emitter-appended) ---
"""Pipeline reference for scband-model-with-temperature-37769942401281 (READ-ONLY COPY).

The authoritative reference and input builder live on the scoring server;
editing this copy changes nothing except your own understanding.
"""

import jax, jax.numpy as jnp
import numpy as np

# ModelWithTemperature.forward: logits = self.model(input, return_logits=True); return logits / self.T
# The wrapped model is external; we model it as an identity that already produces classification
# logits (the canonical usage of temperature scaling operates directly on precomputed logits,
# cf. temperature_scale / set_temperature which both consume logits). The learned parameter is
# the scalar temperature T, initialized to 1.0 in the module; we use 1.5 to make division nontrivial.

def setup_inputs(seed: int = 0) -> dict:
    key = jax.random.key(seed)
    k1, k2 = jax.random.split(key)
    x = jax.random.normal(k1, (16384, 1000), dtype=jnp.float32) * 3.0
    T = jnp.asarray(1.5, dtype=jnp.float32)  # nn.Parameter temperature scalar
    return {"x": x, "T": T}


def reference(x, T):
    # model(input, return_logits=True) -> logits (identity model over precomputed logits)
    logits = x
    # temperature_scale(logits) = logits / self.T
    return logits / T

if __name__ == "__main__":
    import jax
    _d = setup_inputs()
    print(jax.jit(kernel)(*tuple(_d.values())))

</pallas_src>

<mosaic_0001>
#map = affine_map<(d0, d1) -> (0)>
#map1 = affine_map<(d0, d1) -> (0, 0)>
module attributes {stable_mosaic.version = 14 : i64} {
  func.func @_sc_body(%arg0: i32, %arg1: i32, %arg2: memref<16xf32, #tpu.memory_space<hbm>>, %arg3: memref<16384x1000xf32, #tpu.memory_space<hbm>>, %arg4: memref<16384x1000xf32, #tpu.memory_space<hbm>>, %arg5: memref<16xf32, #tpu.memory_space<vmem>>, %arg6: memref<2x16x1000xf32, #tpu.memory_space<vmem>>, %arg7: memref<2x16x1000xf32, #tpu.memory_space<vmem>>, %arg8: memref<2x!tpu.dma_semaphore, #tpu.memory_space<semaphore_mem>>, %arg9: memref<2x!tpu.dma_semaphore, #tpu.memory_space<semaphore_mem>>) attributes {dimension_semantics = [#tpu.dimension_semantics<core_parallel>, #tpu.dimension_semantics<subcore_parallel>], iteration_bounds = array<i64: 2, 16>, scalar_prefetch = 0 : i64, scratch_operands = 5 : i64, tpu.core_type = #tpu.core_type<sc_vector_subcore>, window_params = [{transform_indices = #map}, {transform_indices = #map1}, {transform_indices = #map1}]} {
    %mul3A = arith.constant 2 : i32
    %mul3A_0 = arith.muli %arg1, %mul3A : i32
    %add3A = arith.addi %mul3A_0, %arg0 : i32
    %mul3A_1 = arith.constant 512 : i32
    %mul3A_2 = arith.muli %add3A, %mul3A_1 : i32
    "tpu.region"() ({
      %run_scoped3A = tpu.sem_alloc : memref<!tpu.dma_semaphore, #tpu.memory_space<semaphore_mem>>
      tpu.enqueue_dma source(%arg2 : memref<16xf32, #tpu.memory_space<hbm>>) target(%arg5 : memref<16xf32, #tpu.memory_space<vmem>>) target_semaphore(%run_scoped3A : memref<!tpu.dma_semaphore, #tpu.memory_space<semaphore_mem>>)
      tpu.wait_dma2 semaphore(%run_scoped3A : memref<!tpu.dma_semaphore, #tpu.memory_space<semaphore_mem>>) src(%arg2 : memref<16xf32, #tpu.memory_space<hbm>>) dst(%arg5 : memref<16xf32, #tpu.memory_space<vmem>>)
      tpu.yield
    }) : () -> ()
    %get3A = arith.constant 0 : index
    %get3A_3 = tpu.vector_load %arg5[%get3A] {strides = array<i32>} : memref<16xf32, #tpu.memory_space<vmem>>, vector<16xf32>,
    %get3A_4 = vector.shape_cast %get3A_3 : vector<16xf32> to vector<16xf32>
    %div3A = arith.constant 1.000000e+00 : f32
    %div3A_5 = vector.broadcast %div3A : f32 to vector<16xf32>
    %div3A_6 = arith.divf %div3A_5, %get3A_4 : vector<16xf32>
    %add3A_7 = arith.constant 0 : i32
    %add3A_8 = arith.addi %mul3A_2, %add3A_7 : i32
    %dma_start3A = arith.constant 0 : i32
    %dma_start3A_9 = arith.constant 0 : i32
    %dma_start3A_10 = arith.constant 0 : i32
    %dma_start3A_11 = arith.constant 0 : i32
    %dma_start3A_12 = tpu.memref_slice %arg6[%dma_start3A, %dma_start3A_10, %dma_start3A_11] : memref<2x16x1000xf32, #tpu.memory_space<vmem>> -> memref<1x16x1000xf32, #tpu.memory_space<vmem>>
    %dma_start3A_13 = tpu.memref_squeeze %dma_start3A_12 : memref<1x16x1000xf32, #tpu.memory_space<vmem>> -> memref<16x1000xf32, #tpu.memory_space<vmem>>
    %dma_start3A_14 = arith.constant 0 : i32
    %dma_start3A_15 = tpu.memref_slice %arg3[%add3A_8, %dma_start3A_14] : memref<16384x1000xf32, #tpu.memory_space<hbm>> -> memref<16x1000xf32, #tpu.memory_space<hbm>>
    %dma_start3A_16 = tpu.memref_slice %arg8[%dma_start3A_9] : memref<2x!tpu.dma_semaphore, #tpu.memory_space<semaphore_mem>> -> memref<1x!tpu.dma_semaphore, #tpu.memory_space<semaphore_mem>>
    %dma_start3A_17 = tpu.memref_squeeze %dma_start3A_16 : memref<1x!tpu.dma_semaphore, #tpu.memory_space<semaphore_mem>> -> memref<!tpu.dma_semaphore, #tpu.memory_space<semaphore_mem>>
    %dma_start3A_18 = arith.constant 0 : i32
    %dma_start3A_19 = arith.constant 0 : i32
    %dma_start3A_20 = tpu.memref_slice %arg6[%dma_start3A, %dma_start3A_18, %dma_start3A_19] : memref<2x16x1000xf32, #tpu.memory_space<vmem>> -> memref<1x16x1000xf32, #tpu.memory_space<vmem>>
    %dma_start3A_21 = tpu.memref_squeeze %dma_start3A_20 : memref<1x16x1000xf32, #tpu.memory_space<vmem>> -> memref<16x1000xf32, #tpu.memory_space<vmem>>
    %dma_start3A_22 = arith.constant 0 : i32
    %dma_start3A_23 = tpu.memref_slice %arg3[%add3A_8, %dma_start3A_22] : memref<16384x1000xf32, #tpu.memory_space<hbm>> -> memref<16x1000xf32, #tpu.memory_space<hbm>>
    tpu.enqueue_dma source(%dma_start3A_23 : memref<16x1000xf32, #tpu.memory_space<hbm>>) target(%dma_start3A_21 : memref<16x1000xf32, #tpu.memory_space<vmem>>) target_semaphore(%dma_start3A_17 : memref<!tpu.dma_semaphore, #tpu.memory_space<semaphore_mem>>)
    %scan3A = arith.constant 0 : i32
    %scan3A_24 = arith.constant 0 : i32
    %scan3A_25 = arith.constant 32 : i32
    %scan3A_26 = arith.addi %scan3A_24, %scan3A_25 : i32
    %scan3A_27 = arith.constant 1 : i32
    %scan3A_28 = scf.for %scan3A_66 = %scan3A_24 to %scan3A_26 step %scan3A_27 iter_args(%scan3A_67 = %scan3A) -> (i32)  : i32 {
      %rem3A_68 = arith.constant 2 : i32
      %rem3A_69 = arith.remsi %scan3A_66, %rem3A_68 : i32
      %add3A_70 = arith.constant 1 : i32
      %add3A_71 = arith.addi %scan3A_66, %add3A_70 : i32
      %lt3A = arith.constant 32 : i32
      %lt3A_72 = arith.cmpi slt, %add3A_71, %lt3A : i32
      %convert_element_type3A = arith.extui %lt3A_72 : i1 to i32
      %cond3A = arith.constant 0 : i32
      %cond3A_73 = arith.cmpi ne, %convert_element_type3A, %cond3A : i32
      scf.if %cond3A_73 {
        %add3A_120 = arith.constant 1 : i32
        %add3A_121 = arith.addi %scan3A_66, %add3A_120 : i32
        %sub3A = arith.constant 1 : i32
        %sub3A_122 = arith.subi %sub3A, %rem3A_69 : i32
        %mul3A_123 = arith.constant 16 : i32
        %mul3A_124 = arith.muli %add3A_121, %mul3A_123 : i32
        %add3A_125 = arith.addi %mul3A_2, %mul3A_124 : i32
        %dma_start3A_126 = arith.constant 0 : i32
        %dma_start3A_127 = arith.constant 0 : i32
        %dma_start3A_128 = tpu.memref_slice %arg6[%sub3A_122, %dma_start3A_126, %dma_start3A_127] : memref<2x16x1000xf32, #tpu.memory_space<vmem>> -> memref<1x16x1000xf32, #tpu.memory_space<vmem>>
        %dma_start3A_129 = tpu.memref_squeeze %dma_start3A_128 : memref<1x16x1000xf32, #tpu.memory_space<vmem>> -> memref<16x1000xf32, #tpu.memory_space<vmem>>
        %dma_start3A_130 = arith.constant 0 : i32
        %dma_start3A_131 = tpu.memref_slice %arg3[%add3A_125, %dma_start3A_130] : memref<16384x1000xf32, #tpu.memory_space<hbm>> -> memref<16x1000xf32, #tpu.memory_space<hbm>>
        %dma_start3A_132 = tpu.memref_slice %arg8[%sub3A_122] : memref<2x!tpu.dma_semaphore, #tpu.memory_space<semaphore_mem>> -> memref<1x!tpu.dma_semaphore, #tpu.memory_space<semaphore_mem>>
        %dma_start3A_133 = tpu.memref_squeeze %dma_start3A_132 : memref<1x!tpu.dma_semaphore, #tpu.memory_space<semaphore_mem>> -> memref<!tpu.dma_semaphore, #tpu.memory_space<semaphore_mem>>
        %dma_start3A_134 = arith.constant 0 : i32
        %dma_start3A_135 = arith.constant 0 : i32
        %dma_start3A_136 = tpu.memref_slice %arg6[%sub3A_122, %dma_start3A_134, %dma_start3A_135] : memref<2x16x1000xf32, #tpu.memory_space<vmem>> -> memref<1x16x1000xf32, #tpu.memory_space<vmem>>
        %dma_start3A_137 = tpu.memref_squeeze %dma_start3A_136 : memref<1x16x1000xf32, #tpu.memory_space<vmem>> -> memref<16x1000xf32, #tpu.memory_space<vmem>>
        %dma_start3A_138 = arith.constant 0 : i32
        %dma_start3A_139 = tpu.memref_slice %arg3[%add3A_125, %dma_start3A_138] : memref<16384x1000xf32, #tpu.memory_space<hbm>> -> memref<16x1000xf32, #tpu.memory_space<hbm>>
        tpu.enqueue_dma source(%dma_start3A_139 : memref<16x1000xf32, #tpu.memory_space<hbm>>) target(%dma_start3A_137 : memref<16x1000xf32, #tpu.memory_space<vmem>>) target_semaphore(%dma_start3A_133 : memref<!tpu.dma_semaphore, #tpu.memory_space<semaphore_mem>>)
      } else {
      }
      %mul3A_74 = arith.constant 16 : i32
      %mul3A_75 = arith.muli %scan3A_66, %mul3A_74 : i32
      %add3A_76 = arith.addi %mul3A_2, %mul3A_75 : i32
      %dma_wait3A_77 = arith.constant 0 : i32
      %dma_wait3A_78 = arith.constant 0 : i32
      %dma_wait3A_79 = tpu.memref_slice %arg6[%rem3A_69, %dma_wait3A_77, %dma_wait3A_78] : memref<2x16x1000xf32, #tpu.memory_space<vmem>> -> memref<1x16x1000xf32, #tpu.memory_space<vmem>>
      %dma_wait3A_80 = tpu.memref_squeeze %dma_wait3A_79 : memref<1x16x1000xf32, #tpu.memory_space<vmem>> -> memref<16x1000xf32, #tpu.memory_space<vmem>>
      %dma_wait3A_81 = arith.constant 0 : i32
      %dma_wait3A_82 = tpu.memref_slice %arg3[%add3A_76, %dma_wait3A_81] : memref<16384x1000xf32, #tpu.memory_space<hbm>> -> memref<16x1000xf32, #tpu.memory_space<hbm>>
      %dma_wait3A_83 = tpu.memref_slice %arg8[%rem3A_69] : memref<2x!tpu.dma_semaphore, #tpu.memory_space<semaphore_mem>> -> memref<1x!tpu.dma_semaphore, #tpu.memory_space<semaphore_mem>>
      %dma_wait3A_84 = tpu.memref_squeeze %dma_wait3A_83 : memref<1x!tpu.dma_semaphore, #tpu.memory_space<semaphore_mem>> -> memref<!tpu.dma_semaphore, #tpu.memory_space<semaphore_mem>>
      %dma_wait3A_85 = arith.constant 0 : i32
      %dma_wait3A_86 = arith.constant 0 : i32
      %dma_wait3A_87 = tpu.memref_slice %arg6[%rem3A_69, %dma_wait3A_85, %dma_wait3A_86] : memref<2x16x1000xf32, #tpu.memory_space<vmem>> -> memref<1x16x1000xf32, #tpu.memory_space<vmem>>
      %dma_wait3A_88 = tpu.memref_squeeze %dma_wait3A_87 : memref<1x16x1000xf32, #tpu.memory_space<vmem>> -> memref<16x1000xf32, #tpu.memory_space<vmem>>
      %dma_wait3A_89 = arith.constant 0 : i32
      %dma_wait3A_90 = tpu.memref_slice %arg3[%add3A_76, %dma_wait3A_89] : memref<16384x1000xf32, #tpu.memory_space<hbm>> -> memref<16x1000xf32, #tpu.memory_space<hbm>>
      tpu.wait_dma2 semaphore(%dma_wait3A_84 : memref<!tpu.dma_semaphore, #tpu.memory_space<semaphore_mem>>) src(%dma_wait3A_90 : memref<16x1000xf32, #tpu.memory_space<hbm>>) dst(%dma_wait3A_88 : memref<16x1000xf32, #tpu.memory_space<vmem>>)
      %ge3A = arith.constant 2 : i32
      %ge3A_91 = arith.cmpi sge, %scan3A_66, %ge3A : i32
      %convert_element_type3A_92 = arith.extui %ge3A_91 : i1 to i32
      %cond3A_93 = arith.constant 0 : i32
      %cond3A_94 = arith.cmpi ne, %convert_element_type3A_92, %cond3A_93 : i32
      scf.if %cond3A_94 {
        %sub3A = arith.constant 2 : i32
        %sub3A_120 = arith.subi %scan3A_66, %sub3A : i32
        %mul3A_121 = arith.constant 16 : i32
        %mul3A_122 = arith.muli %sub3A_120, %mul3A_121 : i32
        %add3A_123 = arith.addi %mul3A_2, %mul3A_122 : i32
        %dma_wait3A_124 = arith.constant 0 : i32
        %dma_wait3A_125 = arith.constant 0 : i32
        %dma_wait3A_126 = tpu.memref_slice %arg7[%rem3A_69, %dma_wait3A_124, %dma_wait3A_125] : memref<2x16x1000xf32, #tpu.memory_space<vmem>> -> memref<1x16x1000xf32, #tpu.memory_space<vmem>>
        %dma_wait3A_127 = tpu.memref_squeeze %dma_wait3A_126 : memref<1x16x1000xf32, #tpu.memory_space<vmem>> -> memref<16x1000xf32, #tpu.memory_space<vmem>>
        %dma_wait3A_128 = arith.constant 0 : i32
        %dma_wait3A_129 = tpu.memref_slice %arg4[%add3A_123, %dma_wait3A_128] : memref<16384x1000xf32, #tpu.memory_space<hbm>> -> memref<16x1000xf32, #tpu.memory_space<hbm>>
        %dma_wait3A_130 = tpu.memref_slice %arg9[%rem3A_69] : memref<2x!tpu.dma_semaphore, #tpu.memory_space<semaphore_mem>> -> memref<1x!tpu.dma_semaphore, #tpu.memory_space<semaphore_mem>>
        %dma_wait3A_131 = tpu.memref_squeeze %dma_wait3A_130 : memref<1x!tpu.dma_semaphore, #tpu.memory_space<semaphore_mem>> -> memref<!tpu.dma_semaphore, #tpu.memory_space<semaphore_mem>>
        %dma_wait3A_132 = arith.constant 0 : i32
        %dma_wait3A_133 = tpu.memref_slice %arg4[%add3A_123, %dma_wait3A_132] : memref<16384x1000xf32, #tpu.memory_space<hbm>> -> memref<16x1000xf32, #tpu.memory_space<hbm>>
        %dma_wait3A_134 = arith.constant 0 : i32
        %dma_wait3A_135 = arith.constant 0 : i32
        %dma_wait3A_136 = tpu.memref_slice %arg7[%rem3A_69, %dma_wait3A_134, %dma_wait3A_135] : memref<2x16x1000xf32, #tpu.memory_space<vmem>> -> memref<1x16x1000xf32, #tpu.memory_space<vmem>>
        %dma_wait3A_137 = tpu.memref_squeeze %dma_wait3A_136 : memref<1x16x1000xf32, #tpu.memory_space<vmem>> -> memref<16x1000xf32, #tpu.memory_space<vmem>>
        tpu.wait_dma2 semaphore(%dma_wait3A_131 : memref<!tpu.dma_semaphore, #tpu.memory_space<semaphore_mem>>) src(%dma_wait3A_137 : memref<16x1000xf32, #tpu.memory_space<vmem>>) dst(%dma_wait3A_133 : memref<16x1000xf32, #tpu.memory_space<hbm>>)
      } else {
      }
      %scan3A_95 = arith.constant 0 : i32
      %scan3A_96 = arith.constant 0 : i32
      %scan3A_97 = arith.constant 16 : i32
      %scan3A_98 = arith.addi %scan3A_96, %scan3A_97 : i32
      %scan3A_99 = arith.constant 1 : i32
      %scan3A_100 = scf.for %scan3A_120 = %scan3A_96 to %scan3A_98 step %scan3A_99 iter_args(%scan3A_121 = %scan3A_95) -> (i32)  : i32 {
        %get3A_122 = arith.index_cast %rem3A_69 : i32 to index
        %get3A_123 = arith.index_cast %scan3A_120 : i32 to index
        %get3A_124 = arith.constant 0 : index
        %get3A_125 = tpu.vector_load %arg6[%get3A_122, %get3A_123, %get3A_124] {strides = array<i32>} : memref<2x16x1000xf32, #tpu.memory_space<vmem>>, vector<1x1x16xf32>,
        %get3A_126 = vector.shape_cast %get3A_125 : vector<1x1x16xf32> to vector<16xf32>
        %mul3A_127 = arith.mulf %get3A_126, %div3A_6 : vector<16xf32>
        %swap3A = arith.index_cast %rem3A_69 : i32 to index
        %swap3A_128 = arith.index_cast %scan3A_120 : i32 to index
        %swap3A_129 = arith.constant 0 : index
        %swap3A_130 = tpu.vector_load %arg7[%swap3A, %swap3A_128, %swap3A_129] {strides = array<i32>} : memref<2x16x1000xf32, #tpu.memory_space<vmem>>, vector<1x1x16xf32>,
        %swap3A_131 = vector.shape_cast %swap3A_130 : vector<1x1x16xf32> to vector<16xf32>
        %swap3A_132 = vector.shape_cast %mul3A_127 : vector<16xf32> to vector<1x1x16xf32>
        tpu.vector_store %arg7[%swap3A, %swap3A_128, %swap3A_129], %swap3A_132 {strides = array<i32>} : memref<2x16x1000xf32, #tpu.memory_space<vmem>>, vector<1x1x16xf32>,
        %get3A_133 = arith.index_cast %rem3A_69 : i32 to index
        %get3A_134 = arith.index_cast %scan3A_120 : i32 to index
        %get3A_135 = arith.constant 16 : index
        %get3A_136 = tpu.vector_load %arg6[%get3A_133, %get3A_134, %get3A_135] {strides = array<i32>} : memref<2x16x1000xf32, #tpu.memory_space<vmem>>, vector<1x1x16xf32>,
        %get3A_137 = vector.shape_cast %get3A_136 : vector<1x1x16xf32> to vector<16xf32>
        %mul3A_138 = arith.mulf %get3A_137, %div3A_6 : vector<16xf32>
        %swap3A_139 = arith.index_cast %rem3A_69 : i32 to index
        %swap3A_140 = arith.index_cast %scan3A_120 : i32 to index
        %swap3A_141 = arith.constant 16 : index
        %swap3A_142 = tpu.vector_load %arg7[%swap3A_139, %swap3A_140, %swap3A_141] {strides = array<i32>} : memref<2x16x1000xf32, #tpu.memory_space<vmem>>, vector<1x1x16xf32>,
        %swap3A_143 = vector.shape_cast %swap3A_142 : vector<1x1x16xf32> to vector<16xf32>
        %swap3A_144 = vector.shape_cast %mul3A_138 : vector<16xf32> to vector<1x1x16xf32>
        tpu.vector_store %arg7[%swap3A_139, %swap3A_140, %swap3A_141], %swap3A_144 {strides = array<i32>} : memref<2x16x1000xf32, #tpu.memory_space<vmem>>, vector<1x1x16xf32>,
        %get3A_145 = arith.index_cast %rem3A_69 : i32 to index
        %get3A_146 = arith.index_cast %scan3A_120 : i32 to index
        %get3A_147 = arith.constant 32 : index
        %get3A_148 = tpu.vector_load %arg6[%get3A_145, %get3A_146, %get3A_147] {strides = array<i32>} : memref<2x16x1000xf32, #tpu.memory_space<vmem>>, vector<1x1x16xf32>,
        %get3A_149 = vector.shape_cast %get3A_148 : vector<1x1x16xf32> to vector<16xf32>
        %mul3A_150 = arith.mulf %get3A_149, %div3A_6 : vector<16xf32>
        %swap3A_151 = arith.index_cast %rem3A_69 : i32 to index
        %swap3A_152 = arith.index_cast %scan3A_120 : i32 to index
        %swap3A_153 = arith.constant 32 : index
        %swap3A_154 = tpu.vector_load %arg7[%swap3A_151, %swap3A_152, %swap3A_153] {strides = array<i32>} : memref<2x16x1000xf32, #tpu.memory_space<vmem>>, vector<1x1x16xf32>,
        %swap3A_155 = vector.shape_cast %swap3A_154 : vector<1x1x16xf32> to vector<16xf32>
        %swap3A_156 = vector.shape_cast %mul3A_150 : vector<16xf32> to vector<1x1x16xf32>
        tpu.vector_store %arg7[%swap3A_151, %swap3A_152, %swap3A_153], %swap3A_156 {strides = array<i32>} : memref<2x16x1000xf32, #tpu.memory_space<vmem>>, vector<1x1x16xf32>,
        %get3A_157 = arith.index_cast %rem3A_69 : i32 to index
        %get3A_158 = arith.index_cast %scan3A_120 : i32 to index
        %get3A_159 = arith.constant 48 : index
        %get3A_160 = tpu.vector_load %arg6[%get3A_157, %get3A_158, %get3A_159] {strides = array<i32>} : memref<2x16x1000xf32, #tpu.memory_space<vmem>>, vector<1x1x16xf32>,
        %get3A_161 = vector.shape_cast %get3A_160 : vector<1x1x16xf32> to vector<16xf32>
        %mul3A_162 = arith.mulf %get3A_161, %div3A_6 : vector<16xf32>
        %swap3A_163 = arith.index_cast %rem3A_69 : i32 to index
        %swap3A_164 = arith.index_cast %scan3A_120 : i32 to index
        %swap3A_165 = arith.constant 48 : index
        %swap3A_166 = tpu.vector_load %arg7[%swap3A_163, %swap3A_164, %swap3A_165] {strides = array<i32>} : memref<2x16x1000xf32, #tpu.memory_space<vmem>>, vector<1x1x16xf32>,
        %swap3A_167 = vector.shape_cast %swap3A_166 : vector<1x1x16xf32> to vector<16xf32>
        %swap3A_168 = vector.shape_cast %mul3A_162 : vector<16xf32> to vector<1x1x16xf32>
        tpu.vector_store %arg7[%swap3A_163, %swap3A_164, %swap3A_165], %swap3A_168 {strides = array<i32>} : memref<2x16x1000xf32, #tpu.memory_space<vmem>>, vector<1x1x16xf32>,
        %get3A_169 = arith.index_cast %rem3A_69 : i32 to index
        %get3A_170 = arith.index_cast %scan3A_120 : i32 to index
        %get3A_171 = arith.constant 64 : index
        %get3A_172 = tpu.vector_load %arg6[%get3A_169, %get3A_170, %get3A_171] {strides = array<i32>} : memref<2x16x1000xf32, #tpu.memory_space<vmem>>, vector<1x1x16xf32>,
        %get3A_173 = vector.shape_cast %get3A_172 : vector<1x1x16xf32> to vector<16xf32>
        %mul3A_174 = arith.mulf %get3A_173, %div3A_6 : vector<16xf32>
        %swap3A_175 = arith.index_cast %rem3A_69 : i32 to index
        %swap3A_176 = arith.index_cast %scan3A_120 : i32 to index
        %swap3A_177 = arith.constant 64 : index
        %swap3A_178 = tpu.vector_load %arg7[%swap3A_175, %swap3A_176, %swap3A_177] {strides = array<i32>} : memref<2x16x1000xf32, #tpu.memory_space<vmem>>, vector<1x1x16xf32>,
        %swap3A_179 = vector.shape_cast %swap3A_178 : vector<1x1x16xf32> to vector<16xf32>
        %swap3A_180 = vector.shape_cast %mul3A_174 : vector<16xf32> to vector<1x1x16xf32>
        tpu.vector_store %arg7[%swap3A_175, %swap3A_176, %swap3A_177], %swap3A_180 {strides = array<i32>} : memref<2x16x1000xf32, #tpu.memory_space<vmem>>, vector<1x1x16xf32>,
        %get3A_181 = arith.index_cast %rem3A_69 : i32 to index
        %get3A_182 = arith.index_cast %scan3A_120 : i32 to index
        %get3A_183 = arith.constant 80 : index
        %get3A_184 = tpu.vector_load %arg6[%get3A_181, %get3A_182, %get3A_183] {strides = array<i32>} : memref<2x16x1000xf32, #tpu.memory_space<vmem>>, vector<1x1x16xf32>,
        %get3A_185 = vector.shape_cast %get3A_184 : vector<1x1x16xf32> to vector<16xf32>
        %mul3A_186 = arith.mulf %get3A_185, %div3A_6 : vector<16xf32>
        %swap3A_187 = arith.index_cast %rem3A_69 : i32 to index
        %swap3A_188 = arith.index_cast %scan3A_120 : i32 to index
        %swap3A_189 = arith.constant 80 : index
        %swap3A_190 = tpu.vector_load %arg7[%swap3A_187, %swap3A_188, %swap3A_189] {strides = array<i32>} : memref<2x16x1000xf32, #tpu.memory_space<vmem>>, vector<1x1x16xf32>,
        %swap3A_191 = vector.shape_cast %swap3A_190 : vector<1x1x16xf32> to vector<16xf32>
        %swap3A_192 = vector.shape_cast %mul3A_186 : vector<16xf32> to vector<1x1x16xf32>
        tpu.vector_store %arg7[%swap3A_187, %swap3A_188, %swap3A_189], %swap3A_192 {strides = array<i32>} : memref<2x16x1000xf32, #tpu.memory_space<vmem>>, vector<1x1x16xf32>,
        %get3A_193 = arith.index_cast %rem3A_69 : i32 to index
        %get3A_194 = arith.index_cast %scan3A_120 : i32 to index
        %get3A_195 = arith.constant 96 : index
        %get3A_196 = tpu.vector_load %arg6[%get3A_193, %get3A_194, %get3A_195] {strides = array<i32>} : memref<2x16x1000xf32, #tpu.memory_space<vmem>>, vector<1x1x16xf32>,
        %get3A_197 = vector.shape_cast %get3A_196 : vector<1x1x16xf32> to vector<16xf32>
        %mul3A_198 = arith.mulf %get3A_197, %div3A_6 : vector<16xf32>
        %swap3A_199 = arith.index_cast %rem3A_69 : i32 to index
        %swap3A_200 = arith.index_cast %scan3A_120 : i32 to index
        %swap3A_201 = arith.constant 96 : index
        %swap3A_202 = tpu.vector_load %arg7[%swap3A_199, %swap3A_200, %swap3A_201] {strides = array<i32>} : memref<2x16x1000xf32, #tpu.memory_space<vmem>>, vector<1x1x16xf32>,
        %swap3A_203 = vector.shape_cast %swap3A_202 : vector<1x1x16xf32> to vector<16xf32>
        %swap3A_204 = vector.shape_cast %mul3A_198 : vector<16xf32> to vector<1x1x16xf32>
        tpu.vector_store %arg7[%swap3A_199, %swap3A_200, %swap3A_201], %swap3A_204 {strides = array<i32>} : memref<2x16x1000xf32, #tpu.memory_space<vmem>>, vector<1x1x16xf32>,
        %get3A_205 = arith.index_cast %rem3A_69 : i32 to index
        %get3A_206 = arith.index_cast %scan3A_120 : i32 to index
        %get3A_207 = arith.constant 112 : index
        %get3A_208 = tpu.vector_load %arg6[%get3A_205, %get3A_206, %get3A_207] {strides = array<i32>} : memref<2x16x1000xf32, #tpu.memory_space<vmem>>, vector<1x1x16xf32>,
        %get3A_209 = vector.shape_cast %get3A_208 : vector<1x1x16xf32> to vector<16xf32>
        %mul3A_210 = arith.mulf %get3A_209, %div3A_6 : vector<16xf32>
        %swap3A_211 = arith.index_cast %rem3A_69 : i32 to index
        %swap3A_212 = arith.index_cast %scan3A_120 : i32 to index
        %swap3A_213 = arith.constant 112 : index
        %swap3A_214 = tpu.vector_load %arg7[%swap3A_211, %swap3A_212, %swap3A_213] {strides = array<i32>} : memref<2x16x1000xf32, #tpu.memory_space<vmem>>, vector<1x1x16xf32>,
        %swap3A_215 = vector.shape_cast %swap3A_214 : vector<1x1x16xf32> to vector<16xf32>
        %swap3A_216 = vector.shape_cast %mul3A_210 : vector<16xf32> to vector<1x1x16xf32>
        tpu.vector_store %arg7[%swap3A_211, %swap3A_212, %swap3A_213], %swap3A_216 {strides = array<i32>} : memref<2x16x1000xf32, #tpu.memory_space<vmem>>, vector<1x1x16xf32>,
        %get3A_217 = arith.index_cast %rem3A_69 : i32 to index
        %get3A_218 = arith.index_cast %scan3A_120 : i32 to index
        %get3A_219 = arith.constant 128 : index
        %get3A_220 = tpu.vector_load %arg6[%get3A_217, %get3A_218, %get3A_219] {strides = array<i32>} : memref<2x16x1000xf32, #tpu.memory_space<vmem>>, vector<1x1x16xf32>,
        %get3A_221 = vector.shape_cast %get3A_220 : vector<1x1x16xf32> to vector<16xf32>
        %mul3A_222 = arith.mulf %get3A_221, %div3A_6 : vector<16xf32>
        %swap3A_223 = arith.index_cast %rem3A_69 : i32 to index
        %swap3A_224 = arith.index_cast %scan3A_120 : i32 to index
        %swap3A_225 = arith.constant 128 : index
        %swap3A_226 = tpu.vector_load %arg7[%swap3A_223, %swap3A_224, %swap3A_225] {strides = array<i32>} : memref<2x16x1000xf32, #tpu.memory_space<vmem>>, vector<1x1x16xf32>,
        %swap3A_227 = vector.shape_cast %swap3A_226 : vector<1x1x16xf32> to vector<16xf32>
        %swap3A_228 = vector.shape_cast %mul3A_222 : vector<16xf32> to vector<1x1x16xf32>
        tpu.vector_store %arg7[%swap3A_223, %swap3A_224, %swap3A_225], %swap3A_228 {strides = array<i32>} : memref<2x16x1000xf32, #tpu.memory_space<vmem>>, vector<1x1x16xf32>,
        %get3A_229 = arith.index_cast %rem3A_69 : i32 to index
        %get3A_230 = arith.index_cast %scan3A_120 : i32 to index
        %get3A_231 = arith.constant 144 : index
        %get3A_232 = tpu.vector_load %arg6[%get3A_229, %get3A_230, %get3A_231] {strides = array<i32>} : memref<2x16x1000xf32, #tpu.memory_space<vmem>>, vector<1x1x16xf32>,
        %get3A_233 = vector.shape_cast %get3A_232 : vector<1x1x16xf32> to vector<16xf32>
        %mul3A_234 = arith.mulf %get3A_233, %div3A_6 : vector<16xf32>
        %swap3A_235 = arith.index_cast %rem3A_69 : i32 to index
        %swap3A_236 = arith.index_cast %scan3A_120 : i32 to index
        %swap3A_237 = arith.constant 144 : index
        %swap3A_238 = tpu.vector_load %arg7[%swap3A_235, %swap3A_236, %swap3A_237] {strides = array<i32>} : memref<2x16x1000xf32, #tpu.memory_space<vmem>>, vector<1x1x16xf32>,
        %swap3A_239 = vector.shape_cast %swap3A_238 : vector<1x1x16xf32> to vector<16xf32>
        %swap3A_240 = vector.shape_cast %mul3A_234 : vector<16xf32> to vector<1x1x16xf32>
        tpu.vector_store %arg7[%swap3A_235, %swap3A_236, %swap3A_237], %swap3A_240 {strides = array<i32>} : memref<2x16x1000xf32, #tpu.memory_space<vmem>>, vector<1x1x16xf32>,
        %get3A_241 = arith.index_cast %rem3A_69 : i32 to index
        %get3A_242 = arith.index_cast %scan3A_120 : i32 to index
        %get3A_243 = arith.constant 160 : index
        %get3A_244 = tpu.vector_load %arg6[%get3A_241, %get3A_242, %get3A_243] {strides = array<i32>} : memref<2x16x1000xf32, #tpu.memory_space<vmem>>, vector<1x1x16xf32>,
        %get3A_245 = vector.shape_cast %get3A_244 : vector<1x1x16xf32> to vector<16xf32>
        %mul3A_246 = arith.mulf %get3A_245, %div3A_6 : vector<16xf32>
        %swap3A_247 = arith.index_cast %rem3A_69 : i32 to index
        %swap3A_248 = arith.index_cast %scan3A_120 : i32 to index
        %swap3A_249 = arith.constant 160 : index
        %swap3A_250 = tpu.vector_load %arg7[%swap3A_247, %swap3A_248, %swap3A_249] {strides = array<i32>} : memref<2x16x1000xf32, #tpu.memory_space<vmem>>, vector<1x1x16xf32>,
        %swap3A_251 = vector.shape_cast %swap3A_250 : vector<1x1x16xf32> to vector<16xf32>
        %swap3A_252 = vector.shape_cast %mul3A_246 : vector<16xf32> to vector<1x1x16xf32>
        tpu.vector_store %arg7[%swap3A_247, %swap3A_248, %swap3A_249], %swap3A_252 {strides = array<i32>} : memref<2x16x1000xf32, #tpu.memory_space<vmem>>, vector<1x1x16xf32>,
        %get3A_253 = arith.index_cast %rem3A_69 : i32 to index
        %get3A_254 = arith.index_cast %scan3A_120 : i32 to index
        %get3A_255 = arith.constant 176 : index
        %get3A_256 = tpu.vector_load %arg6[%get3A_253, %get3A_254, %get3A_255] {strides = array<i32>} : memref<2x16x1000xf32, #tpu.memory_space<vmem>>, vector<1x1x16xf32>,
        %get3A_257 = vector.shape_cast %get3A_256 : vector<1x1x16xf32> to vector<16xf32>
        %mul3A_258 = arith.mulf %get3A_257, %div3A_6 : vector<16xf32>
        %swap3A_259 = arith.index_cast %rem3A_69 : i32 to index
        %swap3A_260 = arith.index_cast %scan3A_120 : i32 to index
        %swap3A_261 = arith.constant 176 : index
        %swap3A_262 = tpu.vector_load %arg7[%swap3A_259, %swap3A_260, %swap3A_261] {strides = array<i32>} : memref<2x16x1000xf32, #tpu.memory_space<vmem>>, vector<1x1x16xf32>,
        %swap3A_263 = vector.shape_cast %swap3A_262 : vector<1x1x16xf32> to vector<16xf32>
        %swap3A_264 = vector.shape_cast %mul3A_258 : vector<16xf32> to vector<1x1x16xf32>
        tpu.vector_store %arg7[%swap3A_259, %swap3A_260, %swap3A_261], %swap3A_264 {strides = array<i32>} : memref<2x16x1000xf32, #tpu.memory_space<vmem>>, vector<1x1x16xf32>,
        %get3A_265 = arith.index_cast %rem3A_69 : i32 to index
        %get3A_266 = arith.index_cast %scan3A_120 : i32 to index
        %get3A_267 = arith.constant 192 : index
        %get3A_268 = tpu.vector_load %arg6[%get3A_265, %get3A_266, %get3A_267] {strides = array<i32>} : memref<2x16x1000xf32, #tpu.memory_space<vmem>>, vector<1x1x16xf32>,
        %get3A_269 = vector.shape_cast %get3A_268 : vector<1x1x16xf32> to vector<16xf32>
        %mul3A_270 = arith.mulf %get3A_269, %div3A_6 : vector<16xf32>
        %swap3A_271 = arith.index_cast %rem3A_69 : i32 to index
        %swap3A_272 = arith.index_cast %scan3A_120 : i32 to index
        %swap3A_273 = arith.constant 192 : index
        %swap3A_274 = tpu.vector_load %arg7[%swap3A_271, %swap3A_272, %swap3A_273] {strides = array<i32>} : memref<2x16x1000xf32, #tpu.memory_space<vmem>>, vector<1x1x16xf32>,
        %swap3A_275 = vector.shape_cast %swap3A_274 : vector<1x1x16xf32> to vector<16xf32>
        %swap3A_276 = vector.shape_cast %mul3A_270 : vector<16xf32> to vector<1x1x16xf32>
        tpu.vector_store %arg7[%swap3A_271, %swap3A_272, %swap3A_273], %swap3A_276 {strides = array<i32>} : memref<2x16x1000xf32, #tpu.memory_space<vmem>>, vector<1x1x16xf32>,
        %get3A_277 = arith.index_cast %rem3A_69 : i32 to index
        %get3A_278 = arith.index_cast %scan3A_120 : i32 to index
        %get3A_279 = arith.constant 208 : index
        %get3A_280 = tpu.vector_load %arg6[%get3A_277, %get3A_278, %get3A_279] {strides = array<i32>} : memref<2x16x1000xf32, #tpu.memory_space<vmem>>, vector<1x1x16xf32>,
        %get3A_281 = vector.shape_cast %get3A_280 : vector<1x1x16xf32> to vector<16xf32>
        %mul3A_282 = arith.mulf %get3A_281, %div3A_6 : vector<16xf32>
        %swap3A_283 = arith.index_cast %rem3A_69 : i32 to index
        %swap3A_284 = arith.index_cast %scan3A_120 : i32 to index
        %swap3A_285 = arith.constant 208 : index
        %swap3A_286 = tpu.vector_load %arg7[%swap3A_283, %swap3A_284, %swap3A_285] {strides = array<i32>} : memref<2x16x1000xf32, #tpu.memory_space<vmem>>, vector<1x1x16xf32>,
        %swap3A_287 = vector.shape_cast %swap3A_286 : vector<1x1x16xf32> to vector<16xf32>
        %swap3A_288 = vector.shape_cast %mul3A_282 : vector<16xf32> to vector<1x1x16xf32>
        tpu.vector_store %arg7[%swap3A_283, %swap3A_284, %swap3A_285], %swap3A_288 {strides = array<i32>} : memref<2x16x1000xf32, #tpu.memory_space<vmem>>, vector<1x1x16xf32>,
        %get3A_289 = arith.index_cast %rem3A_69 : i32 to index
        %get3A_290 = arith.index_cast %scan3A_120 : i32 to index
        %get3A_291 = arith.constant 224 : index
        %get3A_292 = tpu.vector_load %arg6[%get3A_289, %get3A_290, %get3A_291] {strides = array<i32>} : memref<2x16x1000xf32, #tpu.memory_space<vmem>>, vector<1x1x16xf32>,
        %get3A_293 = vector.shape_cast %get3A_292 : vector<1x1x16xf32> to vector<16xf32>
        %mul3A_294 = arith.mulf %get3A_293, %div3A_6 : vector<16xf32>
        %swap3A_295 = arith.index_cast %rem3A_69 : i32 to index
        %swap3A_296 = arith.index_cast %scan3A_120 : i32 to index
        %swap3A_297 = arith.constant 224 : index
        %swap3A_298 = tpu.vector_load %arg7[%swap3A_295, %swap3A_296, %swap3A_297] {strides = array<i32>} : memref<2x16x1000xf32, #tpu.memory_space<vmem>>, vector<1x1x16xf32>,
        %swap3A_299 = vector.shape_cast %swap3A_298 : vector<1x1x16xf32> to vector<16xf32>
        %swap3A_300 = vector.shape_cast %mul3A_294 : vector<16xf32> to vector<1x1x16xf32>
        tpu.vector_store %arg7[%swap3A_295, %swap3A_296, %swap3A_297], %swap3A_300 {strides = array<i32>} : memref<2x16x1000xf32, #tpu.memory_space<vmem>>, vector<1x1x16xf32>,
        %get3A_301 = arith.index_cast %rem3A_69 : i32 to index
        %get3A_302 = arith.index_cast %scan3A_120 : i32 to index
        %get3A_303 = arith.constant 240 : index
        %get3A_304 = tpu.vector_load %arg6[%get3A_301, %get3A_302, %get3A_303] {strides = array<i32>} : memref<2x16x1000xf32, #tpu.memory_space<vmem>>, vector<1x1x16xf32>,
        %get3A_305 = vector.shape_cast %get3A_304 : vector<1x1x16xf32> to vector<16xf32>
        %mul3A_306 = arith.mulf %get3A_305, %div3A_6 : vector<16xf32>
        %swap3A_307 = arith.index_cast %rem3A_69 : i32 to index
        %swap3A_308 = arith.index_cast %scan3A_120 : i32 to index
        %swap3A_309 = arith.constant 240 : index
        %swap3A_310 = tpu.vector_load %arg7[%swap3A_307, %swap3A_308, %swap3A_309] {strides = array<i32>} : memref<2x16x1000xf32, #tpu.memory_space<vmem>>, vector<1x1x16xf32>,
        %swap3A_311 = vector.shape_cast %swap3A_310 : vector<1x1x16xf32> to vector<16xf32>
        %swap3A_312 = vector.shape_cast %mul3A_306 : vector<16xf32> to vector<1x1x16xf32>
        tpu.vector_store %arg7[%swap3A_307, %swap3A_308, %swap3A_309], %swap3A_312 {strides = array<i32>} : memref<2x16x1000xf32, #tpu.memory_space<vmem>>, vector<1x1x16xf32>,
        %get3A_313 = arith.index_cast %rem3A_69 : i32 to index
        %get3A_314 = arith.index_cast %scan3A_120 : i32 to index
        %get3A_315 = arith.constant 256 : index
        %get3A_316 = tpu.vector_load %arg6[%get3A_313, %get3A_314, %get3A_315] {strides = array<i32>} : memref<2x16x1000xf32, #tpu.memory_space<vmem>>, vector<1x1x16xf32>,
        %get3A_317 = vector.shape_cast %get3A_316 : vector<1x1x16xf32> to vector<16xf32>
        %mul3A_318 = arith.mulf %get3A_317, %div3A_6 : vector<16xf32>
        %swap3A_319 = arith.index_cast %rem3A_69 : i32 to index
        %swap3A_320 = arith.index_cast %scan3A_120 : i32 to index
        %swap3A_321 = arith.constant 256 : index
        %swap3A_322 = tpu.vector_load %arg7[%swap3A_319, %swap3A_320, %swap3A_321] {strides = array<i32>} : memref<2x16x1000xf32, #tpu.memory_space<vmem>>, vector<1x1x16xf32>,
        %swap3A_323 = vector.shape_cast %swap3A_322 : vector<1x1x16xf32> to vector<16xf32>
        %swap3A_324 = vector.shape_cast %mul3A_318 : vector<16xf32> to vector<1x1x16xf32>
        tpu.vector_store %arg7[%swap3A_319, %swap3A_320, %swap3A_321], %swap3A_324 {strides = array<i32>} : memref<2x16x1000xf32, #tpu.memory_space<vmem>>, vector<1x1x16xf32>,
        %get3A_325 = arith.index_cast %rem3A_69 : i32 to index
        %get3A_326 = arith.index_cast %scan3A_120 : i32 to index
        %get3A_327 = arith.constant 272 : index
        %get3A_328 = tpu.vector_load %arg6[%get3A_325, %get3A_326, %get3A_327] {strides = array<i32>} : memref<2x16x1000xf32, #tpu.memory_space<vmem>>, vector<1x1x16xf32>,
        %get3A_329 = vector.shape_cast %get3A_328 : vector<1x1x16xf32> to vector<16xf32>
        %mul3A_330 = arith.mulf %get3A_329, %div3A_6 : vector<16xf32>
        %swap3A_331 = arith.index_cast %rem3A_69 : i32 to index
        %swap3A_332 = arith.index_cast %scan3A_120 : i32 to index
        %swap3A_333 = arith.constant 272 : index
        %swap3A_334 = tpu.vector_load %arg7[%swap3A_331, %swap3A_332, %swap3A_333] {strides = array<i32>} : memref<2x16x1000xf32, #tpu.memory_space<vmem>>, vector<1x1x16xf32>,
        %swap3A_335 = vector.shape_cast %swap3A_334 : vector<1x1x16xf32> to vector<16xf32>
        %swap3A_336 = vector.shape_cast %mul3A_330 : vector<16xf32> to vector<1x1x16xf32>
        tpu.vector_store %arg7[%swap3A_331, %swap3A_332, %swap3A_333], %swap3A_336 {strides = array<i32>} : memref<2x16x1000xf32, #tpu.memory_space<vmem>>, vector<1x1x16xf32>,
        %get3A_337 = arith.index_cast %rem3A_69 : i32 to index
        %get3A_338 = arith.index_cast %scan3A_120 : i32 to index
        %get3A_339 = arith.constant 288 : index
        %get3A_340 = tpu.vector_load %arg6[%get3A_337, %get3A_338, %get3A_339] {strides = array<i32>} : memref<2x16x1000xf32, #tpu.memory_space<vmem>>, vector<1x1x16xf32>,
        %get3A_341 = vector.shape_cast %get3A_340 : vector<1x1x16xf32> to vector<16xf32>
        %mul3A_342 = arith.mulf %get3A_341, %div3A_6 : vector<16xf32>
        %swap3A_343 = arith.index_cast %rem3A_69 : i32 to index
        %swap3A_344 = arith.index_cast %scan3A_120 : i32 to index
        %swap3A_345 = arith.constant 288 : index
        %swap3A_346 = tpu.vector_load %arg7[%swap3A_343, %swap3A_344, %swap3A_345] {strides = array<i32>} : memref<2x16x1000xf32, #tpu.memory_space<vmem>>, vector<1x1x16xf32>,
        %swap3A_347 = vector.shape_cast %swap3A_346 : vector<1x1x16xf32> to vector<16xf32>
        %swap3A_348 = vector.shape_cast %mul3A_342 : vector<16xf32> to vector<1x1x16xf32>
        tpu.vector_store %arg7[%swap3A_343, %swap3A_344, %swap3A_345], %swap3A_348 {strides = array<i32>} : memref<2x16x1000xf32, #tpu.memory_space<vmem>>, vector<1x1x16xf32>,
        %get3A_349 = arith.index_cast %rem3A_69 : i32 to index
        %get3A_350 = arith.index_cast %scan3A_120 : i32 to index
        %get3A_351 = arith.constant 304 : index
        %get3A_352 = tpu.vector_load %arg6[%get3A_349, %get3A_350, %get3A_351] {strides = array<i32>} : memref<2x16x1000xf32, #tpu.memory_space<vmem>>, vector<1x1x16xf32>,
        %get3A_353 = vector.shape_cast %get3A_352 : vector<1x1x16xf32> to vector<16xf32>
        %mul3A_354 = arith.mulf %get3A_353, %div3A_6 : vector<16xf32>
        %swap3A_355 = arith.index_cast %rem3A_69 : i32 to index
        %swap3A_356 = arith.index_cast %scan3A_120 : i32 to index
        %swap3A_357 = arith.constant 304 : index
        %swap3A_358 = tpu.vector_load %arg7[%swap3A_355, %swap3A_356, %swap3A_357] {strides = array<i32>} : memref<2x16x1000xf32, #tpu.memory_space<vmem>>, vector<1x1x16xf32>,
        %swap3A_359 = vector.shape_cast %swap3A_358 : vector<1x1x16xf32> to vector<16xf32>
        %swap3A_360 = vector.shape_cast %mul3A_354 : vector<16xf32> to vector<1x1x16xf32>
        tpu.vector_store %arg7[%swap3A_355, %swap3A_356, %swap3A_357], %swap3A_360 {strides = array<i32>} : memref<2x16x1000xf32, #tpu.memory_space<vmem>>, vector<1x1x16xf32>,
        %get3A_361 = arith.index_cast %rem3A_69 : i32 to index
        %get3A_362 = arith.index_cast %scan3A_120 : i32 to index
        %get3A_363 = arith.constant 320 : index
        %get3A_364 = tpu.vector_load %arg6[%get3A_361, %get3A_362, %get3A_363] {strides = array<i32>} : memref<2x16x1000xf32, #tpu.memory_space<vmem>>, vector<1x1x16xf32>,
        %get3A_365 = vector.shape_cast %get3A_364 : vector<1x1x16xf32> to vector<16xf32>
        %mul3A_366 = arith.mulf %get3A_365, %div3A_6 : vector<16xf32>
        %swap3A_367 = arith.index_cast %rem3A_69 : i32 to index
        %swap3A_368 = arith.index_cast %scan3A_120 : i32 to index
        %swap3A_369 = arith.constant 320 : index
        %swap3A_370 = tpu.vector_load %arg7[%swap3A_367, %swap3A_368, %swap3A_369] {strides = array<i32>} : memref<2x16x1000xf32, #tpu.memory_space<vmem>>, vector<1x1x16xf32>,
        %swap3A_371 = vector.shape_cast %swap3A_370 : vector<1x1x16xf32> to vector<16xf32>
        %swap3A_372 = vector.shape_cast %mul3A_366 : vector<16xf32> to vector<1x1x16xf32>
        tpu.vector_store %arg7[%swap3A_367, %swap3A_368, %swap3A_369], %swap3A_372 {strides = array<i32>} : memref<2x16x1000xf32, #tpu.memory_space<vmem>>, vector<1x1x16xf32>,
        %get3A_373 = arith.index_cast %rem3A_69 : i32 to index
        %get3A_374 = arith.index_cast %scan3A_120 : i32 to index
        %get3A_375 = arith.constant 336 : index
        %get3A_376 = tpu.vector_load %arg6[%get3A_373, %get3A_374, %get3A_375] {strides = array<i32>} : memref<2x16x1000xf32, #tpu.memory_space<vmem>>, vector<1x1x16xf32>,
        %get3A_377 = vector.shape_cast %get3A_376 : vector<1x1x16xf32> to vector<16xf32>
        %mul3A_378 = arith.mulf %get3A_377, %div3A_6 : vector<16xf32>
        %swap3A_379 = arith.index_cast %rem3A_69 : i32 to index
        %swap3A_380 = arith.index_cast %scan3A_120 : i32 to index
        %swap3A_381 = arith.constant 336 : index
        %swap3A_382 = tpu.vector_load %arg7[%swap3A_379, %swap3A_380, %swap3A_381] {strides = array<i32>} : memref<2x16x1000xf32, #tpu.memory_space<vmem>>, vector<1x1x16xf32>,
        %swap3A_383 = vector.shape_cast %swap3A_382 : vector<1x1x16xf32> to vector<16xf32>
        %swap3A_384 = vector.shape_cast %mul3A_378 : vector<16xf32> to vector<1x1x16xf32>
        tpu.vector_store %arg7[%swap3A_379, %swap3A_380, %swap3A_381], %swap3A_384 {strides = array<i32>} : memref<2x16x1000xf32, #tpu.memory_space<vmem>>, vector<1x1x16xf32>,
        %get3A_385 = arith.index_cast %rem3A_69 : i32 to index
        %get3A_386 = arith.index_cast %scan3A_120 : i32 to index
        %get3A_387 = arith.constant 352 : index
        %get3A_388 = tpu.vector_load %arg6[%get3A_385, %get3A_386, %get3A_387] {strides = array<i32>} : memref<2x16x1000xf32, #tpu.memory_space<vmem>>, vector<1x1x16xf32>,
        %get3A_389 = vector.shape_cast %get3A_388 : vector<1x1x16xf32> to vector<16xf32>
        %mul3A_390 = arith.mulf %get3A_389, %div3A_6 : vector<16xf32>
        %swap3A_391 = arith.index_cast %rem3A_69 : i32 to index
        %swap3A_392 = arith.index_cast %scan3A_120 : i32 to index
        %swap3A_393 = arith.constant 352 : index
        %swap3A_394 = tpu.vector_load %arg7[%swap3A_391, %swap3A_392, %swap3A_393] {strides = array<i32>} : memref<2x16x1000xf32, #tpu.memory_space<vmem>>, vector<1x1x16xf32>,
        %swap3A_395 = vector.shape_cast %swap3A_394 : vector<1x1x16xf32> to vector<16xf32>
        %swap3A_396 = vector.shape_cast %mul3A_390 : vector<16xf32> to vector<1x1x16xf32>
        tpu.vector_store %arg7[%swap3A_391, %swap3A_392, %swap3A_393], %swap3A_396 {strides = array<i32>} : memref<2x16x1000xf32, #tpu.memory_space<vmem>>, vector<1x1x16xf32>,
        %get3A_397 = arith.index_cast %rem3A_69 : i32 to index
        %get3A_398 = arith.index_cast %scan3A_120 : i32 to index
        %get3A_399 = arith.constant 368 : index
        %get3A_400 = tpu.vector_load %arg6[%get3A_397, %get3A_398, %get3A_399] {strides = array<i32>} : memref<2x16x1000xf32, #tpu.memory_space<vmem>>, vector<1x1x16xf32>,
        %get3A_401 = vector.shape_cast %get3A_400 : vector<1x1x16xf32> to vector<16xf32>
        %mul3A_402 = arith.mulf %get3A_401, %div3A_6 : vector<16xf32>
        %swap3A_403 = arith.index_cast %rem3A_69 : i32 to index
        %swap3A_404 = arith.index_cast %scan3A_120 : i32 to index
        %swap3A_405 = arith.constant 368 : index
        %swap3A_406 = tpu.vector_load %arg7[%swap3A_403, %swap3A_404, %swap3A_405] {strides = array<i32>} : memref<2x16x1000xf32, #tpu.memory_space<vmem>>, vector<1x1x16xf32>,
        %swap3A_407 = vector.shape_cast %swap3A_406 : vector<1x1x16xf32> to vector<16xf32>
        %swap3A_408 = vector.shape_cast %mul3A_402 : vector<16xf32> to vector<1x1x16xf32>
        tpu.vector_store %arg7[%swap3A_403, %swap3A_404, %swap3A_405], %swap3A_408 {strides = array<i32>} : memref<2x16x1000xf32, #tpu.memory_space<vmem>>, vector<1x1x16xf32>,
        %get3A_409 = arith.index_cast %rem3A_69 : i32 to index
        %get3A_410 = arith.index_cast %scan3A_120 : i32 to index
        %get3A_411 = arith.constant 384 : index
        %get3A_412 = tpu.vector_load %arg6[%get3A_409, %get3A_410, %get3A_411] {strides = array<i32>} : memref<2x16x1000xf32, #tpu.memory_space<vmem>>, vector<1x1x16xf32>,
        %get3A_413 = vector.shape_cast %get3A_412 : vector<1x1x16xf32> to vector<16xf32>
        %mul3A_414 = arith.mulf %get3A_413, %div3A_6 : vector<16xf32>
        %swap3A_415 = arith.index_cast %rem3A_69 : i32 to index
        %swap3A_416 = arith.index_cast %scan3A_120 : i32 to index
        %swap3A_417 = arith.constant 384 : index
        %swap3A_418 = tpu.vector_load %arg7[%swap3A_415, %swap3A_416, %swap3A_417] {strides = array<i32>} : memref<2x16x1000xf32, #tpu.memory_space<vmem>>, vector<1x1x16xf32>,
        %swap3A_419 = vector.shape_cast %swap3A_418 : vector<1x1x16xf32> to vector<16xf32>
        %swap3A_420 = vector.shape_cast %mul3A_414 : vector<16xf32> to vector<1x1x16xf32>
        tpu.vector_store %arg7[%swap3A_415, %swap3A_416, %swap3A_417], %swap3A_420 {strides = array<i32>} : memref<2x16x1000xf32, #tpu.memory_space<vmem>>, vector<1x1x16xf32>,
        %get3A_421 = arith.index_cast %rem3A_69 : i32 to index
        %get3A_422 = arith.index_cast %scan3A_120 : i32 to index
        %get3A_423 = arith.constant 400 : index
        %get3A_424 = tpu.vector_load %arg6[%get3A_421, %get3A_422, %get3A_423] {strides = array<i32>} : memref<2x16x1000xf32, #tpu.memory_space<vmem>>, vector<1x1x16xf32>,
        %get3A_425 = vector.shape_cast %get3A_424 : vector<1x1x16xf32> to vector<16xf32>
        %mul3A_426 = arith.mulf %get3A_425, %div3A_6 : vector<16xf32>
        %swap3A_427 = arith.index_cast %rem3A_69 : i32 to index
        %swap3A_428 = arith.index_cast %scan3A_120 : i32 to index
        %swap3A_429 = arith.constant 400 : index
        %swap3A_430 = tpu.vector_load %arg7[%swap3A_427, %swap3A_428, %swap3A_429] {strides = array<i32>} : memref<2x16x1000xf32, #tpu.memory_space<vmem>>, vector<1x1x16xf32>,
        %swap3A_431 = vector.shape_cast %swap3A_430 : vector<1x1x16xf32> to vector<16xf32>
        %swap3A_432 = vector.shape_cast %mul3A_426 : vector<16xf32> to vector<1x1x16xf32>
        tpu.vector_store %arg7[%swap3A_427, %swap3A_428, %swap3A_429], %swap3A_432 {strides = array<i32>} : memref<2x16x1000xf32, #tpu.memory_space<vmem>>, vector<1x1x16xf32>,
        %get3A_433 = arith.index_cast %rem3A_69 : i32 to index
        %get3A_434 = arith.index_cast %scan3A_120 : i32 to index
        %get3A_435 = arith.constant 416 : index
        %get3A_436 = tpu.vector_load %arg6[%get3A_433, %get3A_434, %get3A_435] {strides = array<i32>} : memref<2x16x1000xf32, #tpu.memory_space<vmem>>, vector<1x1x16xf32>,
        %get3A_437 = vector.shape_cast %get3A_436 : vector<1x1x16xf32> to vector<16xf32>
        %mul3A_438 = arith.mulf %get3A_437, %div3A_6 : vector<16xf32>
        %swap3A_439 = arith.index_cast %rem3A_69 : i32 to index
        %swap3A_440 = arith.index_cast %scan3A_120 : i32 to index
        %swap3A_441 = arith.constant 416 : index
        %swap3A_442 = tpu.vector_load %arg7[%swap3A_439, %swap3A_440, %swap3A_441] {strides = array<i32>} : memref<2x16x1000xf32, #tpu.memory_space<vmem>>, vector<1x1x16xf32>,
        %swap3A_443 = vector.shape_cast %swap3A_442 : vector<1x1x16xf32> to vector<16xf32>
        %swap3A_444 = vector.shape_cast %mul3A_438 : vector<16xf32> to vector<1x1x16xf32>
        tpu.vector_store %arg7[%swap3A_439, %swap3A_440, %swap3A_441], %swap3A_444 {strides = array<i32>} : memref<2x16x1000xf32, #tpu.memory_space<vmem>>, vector<1x1x16xf32>,
        %get3A_445 = arith.index_cast %rem3A_69 : i32 to index
        %get3A_446 = arith.index_cast %scan3A_120 : i32 to index
        %get3A_447 = arith.constant 432 : index
        %get3A_448 = tpu.vector_load %arg6[%get3A_445, %get3A_446, %get3A_447] {strides = array<i32>} : memref<2x16x1000xf32, #tpu.memory_space<vmem>>, vector<1x1x16xf32>,
        %get3A_449 = vector.shape_cast %get3A_448 : vector<1x1x16xf32> to vector<16xf32>
        %mul3A_450 = arith.mulf %get3A_449, %div3A_6 : vector<16xf32>
        %swap3A_451 = arith.index_cast %rem3A_69 : i32 to index
        %swap3A_452 = arith.index_cast %scan3A_120 : i32 to index
        %swap3A_453 = arith.constant 432 : index
        %swap3A_454 = tpu.vector_load %arg7[%swap3A_451, %swap3A_452, %swap3A_453] {strides = array<i32>} : memref<2x16x1000xf32, #tpu.memory_space<vmem>>, vector<1x1x16xf32>,
        %swap3A_455 = vector.shape_cast %swap3A_454 : vector<1x1x16xf32> to vector<16xf32>
        %swap3A_456 = vector.shape_cast %mul3A_450 : vector<16xf32> to vector<1x1x16xf32>
        tpu.vector_store %arg7[%swap3A_451, %swap3A_452, %swap3A_453], %swap3A_456 {strides = array<i32>} : memref<2x16x1000xf32, #tpu.memory_space<vmem>>, vector<1x1x16xf32>,
        %get3A_457 = arith.index_cast %rem3A_69 : i32 to index
        %get3A_458 = arith.index_cast %scan3A_120 : i32 to index
        %get3A_459 = arith.constant 448 : index
        %get3A_460 = tpu.vector_load %arg6[%get3A_457, %get3A_458, %get3A_459] {strides = array<i32>} : memref<2x16x1000xf32, #tpu.memory_space<vmem>>, vector<1x1x16xf32>,
        %get3A_461 = vector.shape_cast %get3A_460 : vector<1x1x16xf32> to vector<16xf32>
        %mul3A_462 = arith.mulf %get3A_461, %div3A_6 : vector<16xf32>
        %swap3A_463 = arith.index_cast %rem3A_69 : i32 to index
        %swap3A_464 = arith.index_cast %scan3A_120 : i32 to index
        %swap3A_465 = arith.constant 448 : index
        %swap3A_466 = tpu.vector_load %arg7[%swap3A_463, %swap3A_464, %swap3A_465] {strides = array<i32>} : memref<2x16x1000xf32, #tpu.memory_space<vmem>>, vector<1x1x16xf32>,
        %swap3A_467 = vector.shape_cast %swap3A_466 : vector<1x1x16xf32> to vector<16xf32>
        %swap3A_468 = vector.shape_cast %mul3A_462 : vector<16xf32> to vector<1x1x16xf32>
        tpu.vector_store %arg7[%swap3A_463, %swap3A_464, %swap3A_465], %swap3A_468 {strides = array<i32>} : memref<2x16x1000xf32, #tpu.memory_space<vmem>>, vector<1x1x16xf32>,
        %get3A_469 = arith.index_cast %rem3A_69 : i32 to index
        %get3A_470 = arith.index_cast %scan3A_120 : i32 to index
        %get3A_471 = arith.constant 464 : index
        %get3A_472 = tpu.vector_load %arg6[%get3A_469, %get3A_470, %get3A_471] {strides = array<i32>} : memref<2x16x1000xf32, #tpu.memory_space<vmem>>, vector<1x1x16xf32>,
        %get3A_473 = vector.shape_cast %get3A_472 : vector<1x1x16xf32> to vector<16xf32>
        %mul3A_474 = arith.mulf %get3A_473, %div3A_6 : vector<16xf32>
        %swap3A_475 = arith.index_cast %rem3A_69 : i32 to index
        %swap3A_476 = arith.index_cast %scan3A_120 : i32 to index
        %swap3A_477 = arith.constant 464 : index
        %swap3A_478 = tpu.vector_load %arg7[%swap3A_475, %swap3A_476, %swap3A_477] {strides = array<i32>} : memref<2x16x1000xf32, #tpu.memory_space<vmem>>, vector<1x1x16xf32>,
        %swap3A_479 = vector.shape_cast %swap3A_478 : vector<1x1x16xf32> to vector<16xf32>
        %swap3A_480 = vector.shape_cast %mul3A_474 : vector<16xf32> to vector<1x1x16xf32>
        tpu.vector_store %arg7[%swap3A_475, %swap3A_476, %swap3A_477], %swap3A_480 {strides = array<i32>} : memref<2x16x1000xf32, #tpu.memory_space<vmem>>, vector<1x1x16xf32>,
        %get3A_481 = arith.index_cast %rem3A_69 : i32 to index
        %get3A_482 = arith.index_cast %scan3A_120 : i32 to index
        %get3A_483 = arith.constant 480 : index
        %get3A_484 = tpu.vector_load %arg6[%get3A_481, %get3A_482, %get3A_483] {strides = array<i32>} : memref<2x16x1000xf32, #tpu.memory_space<vmem>>, vector<1x1x16xf32>,
        %get3A_485 = vector.shape_cast %get3A_484 : vector<1x1x16xf32> to vector<16xf32>
        %mul3A_486 = arith.mulf %get3A_485, %div3A_6 : vector<16xf32>
        %swap3A_487 = arith.index_cast %rem3A_69 : i32 to index
        %swap3A_488 = arith.index_cast %scan3A_120 : i32 to index
        %swap3A_489 = arith.constant 480 : index
        %swap3A_490 = tpu.vector_load %arg7[%swap3A_487, %swap3A_488, %swap3A_489] {strides = array<i32>} : memref<2x16x1000xf32, #tpu.memory_space<vmem>>, vector<1x1x16xf32>,
        %swap3A_491 = vector.shape_cast %swap3A_490 : vector<1x1x16xf32> to vector<16xf32>
        %swap3A_492 = vector.shape_cast %mul3A_486 : vector<16xf32> to vector<1x1x16xf32>
        tpu.vector_store %arg7[%swap3A_487, %swap3A_488, %swap3A_489], %swap3A_492 {strides = array<i32>} : memref<2x16x1000xf32, #tpu.memory_space<vmem>>, vector<1x1x16xf32>,
        %get3A_493 = arith.index_cast %rem3A_69 : i32 to index
        %get3A_494 = arith.index_cast %scan3A_120 : i32 to index
        %get3A_495 = arith.constant 496 : index
        %get3A_496 = tpu.vector_load %arg6[%get3A_493, %get3A_494, %get3A_495] {strides = array<i32>} : memref<2x16x1000xf32, #tpu.memory_space<vmem>>, vector<1x1x16xf32>,
        %get3A_497 = vector.shape_cast %get3A_496 : vector<1x1x16xf32> to vector<16xf32>
        %mul3A_498 = arith.mulf %get3A_497, %div3A_6 : vector<16xf32>
        %swap3A_499 = arith.index_cast %rem3A_69 : i32 to index
        %swap3A_500 = arith.index_cast %scan3A_120 : i32 to index
        %swap3A_501 = arith.constant 496 : index
        %swap3A_502 = tpu.vector_load %arg7[%swap3A_499, %swap3A_500, %swap3A_501] {strides = array<i32>} : memref<2x16x1000xf32, #tpu.memory_space<vmem>>, vector<1x1x16xf32>,
        %swap3A_503 = vector.shape_cast %swap3A_502 : vector<1x1x16xf32> to vector<16xf32>
        %swap3A_504 = vector.shape_cast %mul3A_498 : vector<16xf32> to vector<1x1x16xf32>
        tpu.vector_store %arg7[%swap3A_499, %swap3A_500, %swap3A_501], %swap3A_504 {strides = array<i32>} : memref<2x16x1000xf32, #tpu.memory_space<vmem>>, vector<1x1x16xf32>,
        %get3A_505 = arith.index_cast %rem3A_69 : i32 to index
        %get3A_506 = arith.index_cast %scan3A_120 : i32 to index
        %get3A_507 = arith.constant 512 : index
        %get3A_508 = tpu.vector_load %arg6[%get3A_505, %get3A_506, %get3A_507] {strides = array<i32>} : memref<2x16x1000xf32, #tpu.memory_space<vmem>>, vector<1x1x16xf32>,
        %get3A_509 = vector.shape_cast %get3A_508 : vector<1x1x16xf32> to vector<16xf32>
        %mul3A_510 = arith.mulf %get3A_509, %div3A_6 : vector<16xf32>
        %swap3A_511 = arith.index_cast %rem3A_69 : i32 to index
        %swap3A_512 = arith.index_cast %scan3A_120 : i32 to index
        %swap3A_513 = arith.constant 512 : index
        %swap3A_514 = tpu.vector_load %arg7[%swap3A_511, %swap3A_512, %swap3A_513] {strides = array<i32>} : memref<2x16x1000xf32, #tpu.memory_space<vmem>>, vector<1x1x16xf32>,
        %swap3A_515 = vector.shape_cast %swap3A_514 : vector<1x1x16xf32> to vector<16xf32>
        %swap3A_516 = vector.shape_cast %mul3A_510 : vector<16xf32> to vector<1x1x16xf32>
        tpu.vector_store %arg7[%swap3A_511, %swap3A_512, %swap3A_513], %swap3A_516 {strides = array<i32>} : memref<2x16x1000xf32, #tpu.memory_space<vmem>>, vector<1x1x16xf32>,
        %get3A_517 = arith.index_cast %rem3A_69 : i32 to index
        %get3A_518 = arith.index_cast %scan3A_120 : i32 to index
        %get3A_519 = arith.constant 528 : index
        %get3A_520 = tpu.vector_load %arg6[%get3A_517, %get3A_518, %get3A_519] {strides = array<i32>} : memref<2x16x1000xf32, #tpu.memory_space<vmem>>, vector<1x1x16xf32>,
        %get3A_521 = vector.shape_cast %get3A_520 : vector<1x1x16xf32> to vector<16xf32>
        %mul3A_522 = arith.mulf %get3A_521, %div3A_6 : vector<16xf32>
        %swap3A_523 = arith.index_cast %rem3A_69 : i32 to index
        %swap3A_524 = arith.index_cast %scan3A_120 : i32 to index
        %swap3A_525 = arith.constant 528 : index
        %swap3A_526 = tpu.vector_load %arg7[%swap3A_523, %swap3A_524, %swap3A_525] {strides = array<i32>} : memref<2x16x1000xf32, #tpu.memory_space<vmem>>, vector<1x1x16xf32>,
        %swap3A_527 = vector.shape_cast %swap3A_526 : vector<1x1x16xf32> to vector<16xf32>
        %swap3A_528 = vector.shape_cast %mul3A_522 : vector<16xf32> to vector<1x1x16xf32>
        tpu.vector_store %arg7[%swap3A_523, %swap3A_524, %swap3A_525], %swap3A_528 {strides = array<i32>} : memref<2x16x1000xf32, #tpu.memory_space<vmem>>, vector<1x1x16xf32>,
        %get3A_529 = arith.index_cast %rem3A_69 : i32 to index
        %get3A_530 = arith.index_cast %scan3A_120 : i32 to index
        %get3A_531 = arith.constant 544 : index
        %get3A_532 = tpu.vector_load %arg6[%get3A_529, %get3A_530, %get3A_531] {strides = array<i32>} : memref<2x16x1000xf32, #tpu.memory_space<vmem>>, vector<1x1x16xf32>,
        %get3A_533 = vector.shape_cast %get3A_532 : vector<1x1x16xf32> to vector<16xf32>
        %mul3A_534 = arith.mulf %get3A_533, %div3A_6 : vector<16xf32>
        %swap3A_535 = arith.index_cast %rem3A_69 : i32 to index
        %swap3A_536 = arith.index_cast %scan3A_120 : i32 to index
        %swap3A_537 = arith.constant 544 : index
        %swap3A_538 = tpu.vector_load %arg7[%swap3A_535, %swap3A_536, %swap3A_537] {strides = array<i32>} : memref<2x16x1000xf32, #tpu.memory_space<vmem>>, vector<1x1x16xf32>,
        %swap3A_539 = vector.shape_cast %swap3A_538 : vector<1x1x16xf32> to vector<16xf32>
        %swap3A_540 = vector.shape_cast %mul3A_534 : vector<16xf32> to vector<1x1x16xf32>
        tpu.vector_store %arg7[%swap3A_535, %swap3A_536, %swap3A_537], %swap3A_540 {strides = array<i32>} : memref<2x16x1000xf32, #tpu.memory_space<vmem>>, vector<1x1x16xf32>,
        %get3A_541 = arith.index_cast %rem3A_69 : i32 to index
        %get3A_542 = arith.index_cast %scan3A_120 : i32 to index
        %get3A_543 = arith.constant 560 : index
        %get3A_544 = tpu.vector_load %arg6[%get3A_541, %get3A_542, %get3A_543] {strides = array<i32>} : memref<2x16x1000xf32, #tpu.memory_space<vmem>>, vector<1x1x16xf32>,
        %get3A_545 = vector.shape_cast %get3A_544 : vector<1x1x16xf32> to vector<16xf32>
        %mul3A_546 = arith.mulf %get3A_545, %div3A_6 : vector<16xf32>
        %swap3A_547 = arith.index_cast %rem3A_69 : i32 to index
        %swap3A_548 = arith.index_cast %scan3A_120 : i32 to index
        %swap3A_549 = arith.constant 560 : index
        %swap3A_550 = tpu.vector_load %arg7[%swap3A_547, %swap3A_548, %swap3A_549] {strides = array<i32>} : memref<2x16x1000xf32, #tpu.memory_space<vmem>>, vector<1x1x16xf32>,
        %swap3A_551 = vector.shape_cast %swap3A_550 : vector<1x1x16xf32> to vector<16xf32>
        %swap3A_552 = vector.shape_cast %mul3A_546 : vector<16xf32> to vector<1x1x16xf32>
        tpu.vector_store %arg7[%swap3A_547, %swap3A_548, %swap3A_549], %swap3A_552 {strides = array<i32>} : memref<2x16x1000xf32, #tpu.memory_space<vmem>>, vector<1x1x16xf32>,
        %get3A_553 = arith.index_cast %rem3A_69 : i32 to index
        %get3A_554 = arith.index_cast %scan3A_120 : i32 to index
        %get3A_555 = arith.constant 576 : index
        %get3A_556 = tpu.vector_load %arg6[%get3A_553, %get3A_554, %get3A_555] {strides = array<i32>} : memref<2x16x1000xf32, #tpu.memory_space<vmem>>, vector<1x1x16xf32>,
        %get3A_557 = vector.shape_cast %get3A_556 : vector<1x1x16xf32> to vector<16xf32>
        %mul3A_558 = arith.mulf %get3A_557, %div3A_6 : vector<16xf32>
        %swap3A_559 = arith.index_cast %rem3A_69 : i32 to index
        %swap3A_560 = arith.index_cast %scan3A_120 : i32 to index
        %swap3A_561 = arith.constant 576 : index
        %swap3A_562 = tpu.vector_load %arg7[%swap3A_559, %swap3A_560, %swap3A_561] {strides = array<i32>} : memref<2x16x1000xf32, #tpu.memory_space<vmem>>, vector<1x1x16xf32>,
        %swap3A_563 = vector.shape_cast %swap3A_562 : vector<1x1x16xf32> to vector<16xf32>
        %swap3A_564 = vector.shape_cast %mul3A_558 : vector<16xf32> to vector<1x1x16xf32>
        tpu.vector_store %arg7[%swap3A_559, %swap3A_560, %swap3A_561], %swap3A_564 {strides = array<i32>} : memref<2x16x1000xf32, #tpu.memory_space<vmem>>, vector<1x1x16xf32>,
        %get3A_565 = arith.index_cast %rem3A_69 : i32 to index
        %get3A_566 = arith.index_cast %scan3A_120 : i32 to index
        %get3A_567 = arith.constant 592 : index
        %get3A_568 = tpu.vector_load %arg6[%get3A_565, %get3A_566, %get3A_567] {strides = array<i32>} : memref<2x16x1000xf32, #tpu.memory_space<vmem>>, vector<1x1x16xf32>,
        %get3A_569 = vector.shape_cast %get3A_568 : vector<1x1x16xf32> to vector<16xf32>
        %mul3A_570 = arith.mulf %get3A_569, %div3A_6 : vector<16xf32>
        %swap3A_571 = arith.index_cast %rem3A_69 : i32 to index
        %swap3A_572 = arith.index_cast %scan3A_120 : i32 to index
        %swap3A_573 = arith.constant 592 : index
        %swap3A_574 = tpu.vector_load %arg7[%swap3A_571, %swap3A_572, %swap3A_573] {strides = array<i32>} : memref<2x16x1000xf32, #tpu.memory_space<vmem>>, vector<1x1x16xf32>,
        %swap3A_575 = vector.shape_cast %swap3A_574 : vector<1x1x16xf32> to vector<16xf32>
        %swap3A_576 = vector.shape_cast %mul3A_570 : vector<16xf32> to vector<1x1x16xf32>
        tpu.vector_store %arg7[%swap3A_571, %swap3A_572, %swap3A_573], %swap3A_576 {strides = array<i32>} : memref<2x16x1000xf32, #tpu.memory_space<vmem>>, vector<1x1x16xf32>,
        %get3A_577 = arith.index_cast %rem3A_69 : i32 to index
        %get3A_578 = arith.index_cast %scan3A_120 : i32 to index
        %get3A_579 = arith.constant 608 : index
        %get3A_580 = tpu.vector_load %arg6[%get3A_577, %get3A_578, %get3A_579] {strides = array<i32>} : memref<2x16x1000xf32, #tpu.memory_space<vmem>>, vector<1x1x16xf32>,
        %get3A_581 = vector.shape_cast %get3A_580 : vector<1x1x16xf32> to vector<16xf32>
        %mul3A_582 = arith.mulf %get3A_581, %div3A_6 : vector<16xf32>
        %swap3A_583 = arith.index_cast %rem3A_69 : i32 to index
        %swap3A_584 = arith.index_cast %scan3A_120 : i32 to index
        %swap3A_585 = arith.constant 608 : index
        %swap3A_586 = tpu.vector_load %arg7[%swap3A_583, %swap3A_584, %swap3A_585] {strides = array<i32>} : memref<2x16x1000xf32, #tpu.memory_space<vmem>>, vector<1x1x16xf32>,
        %swap3A_587 = vector.shape_cast %swap3A_586 : vector<1x1x16xf32> to vector<16xf32>
        %swap3A_588 = vector.shape_cast %mul3A_582 : vector<16xf32> to vector<1x1x16xf32>
        tpu.vector_store %arg7[%swap3A_583, %swap3A_584, %swap3A_585], %swap3A_588 {strides = array<i32>} : memref<2x16x1000xf32, #tpu.memory_space<vmem>>, vector<1x1x16xf32>,
        %get3A_589 = arith.index_cast %rem3A_69 : i32 to index
        %get3A_590 = arith.index_cast %scan3A_120 : i32 to index
        %get3A_591 = arith.constant 624 : index
        %get3A_592 = tpu.vector_load %arg6[%get3A_589, %get3A_590, %get3A_591] {strides = array<i32>} : memref<2x16x1000xf32, #tpu.memory_space<vmem>>, vector<1x1x16xf32>,
        %get3A_593 = vector.shape_cast %get3A_592 : vector<1x1x16xf32> to vector<16xf32>
        %mul3A_594 = arith.mulf %get3A_593, %div3A_6 : vector<16xf32>
        %swap3A_595 = arith.index_cast %rem3A_69 : i32 to index
        %swap3A_596 = arith.index_cast %scan3A_120 : i32 to index
        %swap3A_597 = arith.constant 624 : index
        %swap3A_598 = tpu.vector_load %arg7[%swap3A_595, %swap3A_596, %swap3A_597] {strides = array<i32>} : memref<2x16x1000xf32, #tpu.memory_space<vmem>>, vector<1x1x16xf32>,
        %swap3A_599 = vector.shape_cast %swap3A_598 : vector<1x1x16xf32> to vector<16xf32>
        %swap3A_600 = vector.shape_cast %mul3A_594 : vector<16xf32> to vector<1x1x16xf32>
        tpu.vector_store %arg7[%swap3A_595, %swap3A_596, %swap3A_597], %swap3A_600 {strides = array<i32>} : memref<2x16x1000xf32, #tpu.memory_space<vmem>>, vector<1x1x16xf32>,
        %get3A_601 = arith.index_cast %rem3A_69 : i32 to index
        %get3A_602 = arith.index_cast %scan3A_120 : i32 to index
        %get3A_603 = arith.constant 640 : index
        %get3A_604 = tpu.vector_load %arg6[%get3A_601, %get3A_602, %get3A_603] {strides = array<i32>} : memref<2x16x1000xf32, #tpu.memory_space<vmem>>, vector<1x1x16xf32>,
        %get3A_605 = vector.shape_cast %get3A_604 : vector<1x1x16xf32> to vector<16xf32>
        %mul3A_606 = arith.mulf %get3A_605, %div3A_6 : vector<16xf32>
        %swap3A_607 = arith.index_cast %rem3A_69 : i32 to index
        %swap3A_608 = arith.index_cast %scan3A_120 : i32 to index
        %swap3A_609 = arith.constant 640 : index
        %swap3A_610 = tpu.vector_load %arg7[%swap3A_607, %swap3A_608, %swap3A_609] {strides = array<i32>} : memref<2x16x1000xf32, #tpu.memory_space<vmem>>, vector<1x1x16xf32>,
        %swap3A_611 = vector.shape_cast %swap3A_610 : vector<1x1x16xf32> to vector<16xf32>
        %swap3A_612 = vector.shape_cast %mul3A_606 : vector<16xf32> to vector<1x1x16xf32>
        tpu.vector_store %arg7[%swap3A_607, %swap3A_608, %swap3A_609], %swap3A_612 {strides = array<i32>} : memref<2x16x1000xf32, #tpu.memory_space<vmem>>, vector<1x1x16xf32>,
        %get3A_613 = arith.index_cast %rem3A_69 : i32 to index
        %get3A_614 = arith.index_cast %scan3A_120 : i32 to index
        %get3A_615 = arith.constant 656 : index
        %get3A_616 = tpu.vector_load %arg6[%get3A_613, %get3A_614, %get3A_615] {strides = array<i32>} : memref<2x16x1000xf32, #tpu.memory_space<vmem>>, vector<1x1x16xf32>,
        %get3A_617 = vector.shape_cast %get3A_616 : vector<1x1x16xf32> to vector<16xf32>
        %mul3A_618 = arith.mulf %get3A_617, %div3A_6 : vector<16xf32>
        %swap3A_619 = arith.index_cast %rem3A_69 : i32 to index
        %swap3A_620 = arith.index_cast %scan3A_120 : i32 to index
        %swap3A_621 = arith.constant 656 : index
        %swap3A_622 = tpu.vector_load %arg7[%swap3A_619, %swap3A_620, %swap3A_621] {strides = array<i32>} : memref<2x16x1000xf32, #tpu.memory_space<vmem>>, vector<1x1x16xf32>,
        %swap3A_623 = vector.shape_cast %swap3A_622 : vector<1x1x16xf32> to vector<16xf32>
        %swap3A_624 = vector.shape_cast %mul3A_618 : vector<16xf32> to vector<1x1x16xf32>
        tpu.vector_store %arg7[%swap3A_619, %swap3A_620, %swap3A_621], %swap3A_624 {strides = array<i32>} : memref<2x16x1000xf32, #tpu.memory_space<vmem>>, vector<1x1x16xf32>,
        %get3A_625 = arith.index_cast %rem3A_69 : i32 to index
        %get3A_626 = arith.index_cast %scan3A_120 : i32 to index
        %get3A_627 = arith.constant 672 : index
        %get3A_628 = tpu.vector_load %arg6[%get3A_625, %get3A_626, %get3A_627] {strides = array<i32>} : memref<2x16x1000xf32, #tpu.memory_space<vmem>>, vector<1x1x16xf32>,
        %get3A_629 = vector.shape_cast %get3A_628 : vector<1x1x16xf32> to vector<16xf32>
        %mul3A_630 = arith.mulf %get3A_629, %div3A_6 : vector<16xf32>
        %swap3A_631 = arith.index_cast %rem3A_69 : i32 to index
        %swap3A_632 = arith.index_cast %scan3A_120 : i32 to index
        %swap3A_633 = arith.constant 672 : index
        %swap3A_634 = tpu.vector_load %arg7[%swap3A_631, %swap3A_632, %swap3A_633] {strides = array<i32>} : memref<2x16x1000xf32, #tpu.memory_space<vmem>>, vector<1x1x16xf32>,
        %swap3A_635 = vector.shape_cast %swap3A_634 : vector<1x1x16xf32> to vector<16xf32>
        %swap3A_636 = vector.shape_cast %mul3A_630 : vector<16xf32> to vector<1x1x16xf32>
        tpu.vector_store %arg7[%swap3A_631, %swap3A_632, %swap3A_633], %swap3A_636 {strides = array<i32>} : memref<2x16x1000xf32, #tpu.memory_space<vmem>>, vector<1x1x16xf32>,
        %get3A_637 = arith.index_cast %rem3A_69 : i32 to index
        %get3A_638 = arith.index_cast %scan3A_120 : i32 to index
        %get3A_639 = arith.constant 688 : index
        %get3A_640 = tpu.vector_load %arg6[%get3A_637, %get3A_638, %get3A_639] {strides = array<i32>} : memref<2x16x1000xf32, #tpu.memory_space<vmem>>, vector<1x1x16xf32>,
        %get3A_641 = vector.shape_cast %get3A_640 : vector<1x1x16xf32> to vector<16xf32>
        %mul3A_642 = arith.mulf %get3A_641, %div3A_6 : vector<16xf32>
        %swap3A_643 = arith.index_cast %rem3A_69 : i32 to index
        %swap3A_644 = arith.index_cast %scan3A_120 : i32 to index
        %swap3A_645 = arith.constant 688 : index
        %swap3A_646 = tpu.vector_load %arg7[%swap3A_643, %swap3A_644, %swap3A_645] {strides = array<i32>} : memref<2x16x1000xf32, #tpu.memory_space<vmem>>, vector<1x1x16xf32>,
        %swap3A_647 = vector.shape_cast %swap3A_646 : vector<1x1x16xf32> to vector<16xf32>
        %swap3A_648 = vector.shape_cast %mul3A_642 : vector<16xf32> to vector<1x1x16xf32>
        tpu.vector_store %arg7[%swap3A_643, %swap3A_644, %swap3A_645], %swap3A_648 {strides = array<i32>} : memref<2x16x1000xf32, #tpu.memory_space<vmem>>, vector<1x1x16xf32>,
        %get3A_649 = arith.index_cast %rem3A_69 : i32 to index
        %get3A_650 = arith.index_cast %scan3A_120 : i32 to index
        %get3A_651 = arith.constant 704 : index
        %get3A_652 = tpu.vector_load %arg6[%get3A_649, %get3A_650, %get3A_651] {strides = array<i32>} : memref<2x16x1000xf32, #tpu.memory_space<vmem>>, vector<1x1x16xf32>,
        %get3A_653 = vector.shape_cast %get3A_652 : vector<1x1x16xf32> to vector<16xf32>
        %mul3A_654 = arith.mulf %get3A_653, %div3A_6 : vector<16xf32>
        %swap3A_655 = arith.index_cast %rem3A_69 : i32 to index
        %swap3A_656 = arith.index_cast %scan3A_120 : i32 to index
        %swap3A_657 = arith.constant 704 : index
        %swap3A_658 = tpu.vector_load %arg7[%swap3A_655, %swap3A_656, %swap3A_657] {strides = array<i32>} : memref<2x16x1000xf32, #tpu.memory_space<vmem>>, vector<1x1x16xf32>,
        %swap3A_659 = vector.shape_cast %swap3A_658 : vector<1x1x16xf32> to vector<16xf32>
        %swap3A_660 = vector.shape_cast %mul3A_654 : vector<16xf32> to vector<1x1x16xf32>
        tpu.vector_store %arg7[%swap3A_655, %swap3A_656, %swap3A_657], %swap3A_660 {strides = array<i32>} : memref<2x16x1000xf32, #tpu.memory_space<vmem>>, vector<1x1x16xf32>,
        %get3A_661 = arith.index_cast %rem3A_69 : i32 to index
        %get3A_662 = arith.index_cast %scan3A_120 : i32 to index
        %get3A_663 = arith.constant 720 : index
        %get3A_664 = tpu.vector_load %arg6[%get3A_661, %get3A_662, %get3A_663] {strides = array<i32>} : memref<2x16x1000xf32, #tpu.memory_space<vmem>>, vector<1x1x16xf32>,
        %get3A_665 = vector.shape_cast %get3A_664 : vector<1x1x16xf32> to vector<16xf32>
        %mul3A_666 = arith.mulf %get3A_665, %div3A_6 : vector<16xf32>
        %swap3A_667 = arith.index_cast %rem3A_69 : i32 to index
        %swap3A_668 = arith.index_cast %scan3A_120 : i32 to index
        %swap3A_669 = arith.constant 720 : index
        %swap3A_670 = tpu.vector_load %arg7[%swap3A_667, %swap3A_668, %swap3A_669] {strides = array<i32>} : memref<2x16x1000xf32, #tpu.memory_space<vmem>>, vector<1x1x16xf32>,
        %swap3A_671 = vector.shape_cast %swap3A_670 : vector<1x1x16xf32> to vector<16xf32>
        %swap3A_672 = vector.shape_cast %mul3A_666 : vector<16xf32> to vector<1x1x16xf32>
        tpu.vector_store %arg7[%swap3A_667, %swap3A_668, %swap3A_669], %swap3A_672 {strides = array<i32>} : memref<2x16x1000xf32, #tpu.memory_space<vmem>>, vector<1x1x16xf32>,
        %get3A_673 = arith.index_cast %rem3A_69 : i32 to index
        %get3A_674 = arith.index_cast %scan3A_120 : i32 to index
        %get3A_675 = arith.constant 736 : index
        %get3A_676 = tpu.vector_load %arg6[%get3A_673, %get3A_674, %get3A_675] {strides = array<i32>} : memref<2x16x1000xf32, #tpu.memory_space<vmem>>, vector<1x1x16xf32>,
        %get3A_677 = vector.shape_cast %get3A_676 : vector<1x1x16xf32> to vector<16xf32>
        %mul3A_678 = arith.mulf %get3A_677, %div3A_6 : vector<16xf32>
        %swap3A_679 = arith.index_cast %rem3A_69 : i32 to index
        %swap3A_680 = arith.index_cast %scan3A_120 : i32 to index
        %swap3A_681 = arith.constant 736 : index
        %swap3A_682 = tpu.vector_load %arg7[%swap3A_679, %swap3A_680, %swap3A_681] {strides = array<i32>} : memref<2x16x1000xf32, #tpu.memory_space<vmem>>, vector<1x1x16xf32>,
        %swap3A_683 = vector.shape_cast %swap3A_682 : vector<1x1x16xf32> to vector<16xf32>
        %swap3A_684 = vector.shape_cast %mul3A_678 : vector<16xf32> to vector<1x1x16xf32>
        tpu.vector_store %arg7[%swap3A_679, %swap3A_680, %swap3A_681], %swap3A_684 {strides = array<i32>} : memref<2x16x1000xf32, #tpu.memory_space<vmem>>, vector<1x1x16xf32>,
        %get3A_685 = arith.index_cast %rem3A_69 : i32 to index
        %get3A_686 = arith.index_cast %scan3A_120 : i32 to index
        %get3A_687 = arith.constant 752 : index
        %get3A_688 = tpu.vector_load %arg6[%get3A_685, %get3A_686, %get3A_687] {strides = array<i32>} : memref<2x16x1000xf32, #tpu.memory_space<vmem>>, vector<1x1x16xf32>,
        %get3A_689 = vector.shape_cast %get3A_688 : vector<1x1x16xf32> to vector<16xf32>
        %mul3A_690 = arith.mulf %get3A_689, %div3A_6 : vector<16xf32>
        %swap3A_691 = arith.index_cast %rem3A_69 : i32 to index
        %swap3A_692 = arith.index_cast %scan3A_120 : i32 to index
        %swap3A_693 = arith.constant 752 : index
        %swap3A_694 = tpu.vector_load %arg7[%swap3A_691, %swap3A_692, %swap3A_693] {strides = array<i32>} : memref<2x16x1000xf32, #tpu.memory_space<vmem>>, vector<1x1x16xf32>,
        %swap3A_695 = vector.shape_cast %swap3A_694 : vector<1x1x16xf32> to vector<16xf32>
        %swap3A_696 = vector.shape_cast %mul3A_690 : vector<16xf32> to vector<1x1x16xf32>
        tpu.vector_store %arg7[%swap3A_691, %swap3A_692, %swap3A_693], %swap3A_696 {strides = array<i32>} : memref<2x16x1000xf32, #tpu.memory_space<vmem>>, vector<1x1x16xf32>,
        %get3A_697 = arith.index_cast %rem3A_69 : i32 to index
        %get3A_698 = arith.index_cast %scan3A_120 : i32 to index
        %get3A_699 = arith.constant 768 : index
        %get3A_700 = tpu.vector_load %arg6[%get3A_697, %get3A_698, %get3A_699] {strides = array<i32>} : memref<2x16x1000xf32, #tpu.memory_space<vmem>>, vector<1x1x16xf32>,
        %get3A_701 = vector.shape_cast %get3A_700 : vector<1x1x16xf32> to vector<16xf32>
        %mul3A_702 = arith.mulf %get3A_701, %div3A_6 : vector<16xf32>
        %swap3A_703 = arith.index_cast %rem3A_69 : i32 to index
        %swap3A_704 = arith.index_cast %scan3A_120 : i32 to index
        %swap3A_705 = arith.constant 768 : index
        %swap3A_706 = tpu.vector_load %arg7[%swap3A_703, %swap3A_704, %swap3A_705] {strides = array<i32>} : memref<2x16x1000xf32, #tpu.memory_space<vmem>>, vector<1x1x16xf32>,
        %swap3A_707 = vector.shape_cast %swap3A_706 : vector<1x1x16xf32> to vector<16xf32>
        %swap3A_708 = vector.shape_cast %mul3A_702 : vector<16xf32> to vector<1x1x16xf32>
        tpu.vector_store %arg7[%swap3A_703, %swap3A_704, %swap3A_705], %swap3A_708 {strides = array<i32>} : memref<2x16x1000xf32, #tpu.memory_space<vmem>>, vector<1x1x16xf32>,
        %get3A_709 = arith.index_cast %rem3A_69 : i32 to index
        %get3A_710 = arith.index_cast %scan3A_120 : i32 to index
        %get3A_711 = arith.constant 784 : index
        %get3A_712 = tpu.vector_load %arg6[%get3A_709, %get3A_710, %get3A_711] {strides = array<i32>} : memref<2x16x1000xf32, #tpu.memory_space<vmem>>, vector<1x1x16xf32>,
        %get3A_713 = vector.shape_cast %get3A_712 : vector<1x1x16xf32> to vector<16xf32>
        %mul3A_714 = arith.mulf %get3A_713, %div3A_6 : vector<16xf32>
        %swap3A_715 = arith.index_cast %rem3A_69 : i32 to index
        %swap3A_716 = arith.index_cast %scan3A_120 : i32 to index
        %swap3A_717 = arith.constant 784 : index
        %swap3A_718 = tpu.vector_load %arg7[%swap3A_715, %swap3A_716, %swap3A_717] {strides = array<i32>} : memref<2x16x1000xf32, #tpu.memory_space<vmem>>, vector<1x1x16xf32>,
        %swap3A_719 = vector.shape_cast %swap3A_718 : vector<1x1x16xf32> to vector<16xf32>
        %swap3A_720 = vector.shape_cast %mul3A_714 : vector<16xf32> to vector<1x1x16xf32>
        tpu.vector_store %arg7[%swap3A_715, %swap3A_716, %swap3A_717], %swap3A_720 {strides = array<i32>} : memref<2x16x1000xf32, #tpu.memory_space<vmem>>, vector<1x1x16xf32>,
        %get3A_721 = arith.index_cast %rem3A_69 : i32 to index
        %get3A_722 = arith.index_cast %scan3A_120 : i32 to index
        %get3A_723 = arith.constant 800 : index
        %get3A_724 = tpu.vector_load %arg6[%get3A_721, %get3A_722, %get3A_723] {strides = array<i32>} : memref<2x16x1000xf32, #tpu.memory_space<vmem>>, vector<1x1x16xf32>,
        %get3A_725 = vector.shape_cast %get3A_724 : vector<1x1x16xf32> to vector<16xf32>
        %mul3A_726 = arith.mulf %get3A_725, %div3A_6 : vector<16xf32>
        %swap3A_727 = arith.index_cast %rem3A_69 : i32 to index
        %swap3A_728 = arith.index_cast %scan3A_120 : i32 to index
        %swap3A_729 = arith.constant 800 : index
        %swap3A_730 = tpu.vector_load %arg7[%swap3A_727, %swap3A_728, %swap3A_729] {strides = array<i32>} : memref<2x16x1000xf32, #tpu.memory_space<vmem>>, vector<1x1x16xf32>,
        %swap3A_731 = vector.shape_cast %swap3A_730 : vector<1x1x16xf32> to vector<16xf32>
        %swap3A_732 = vector.shape_cast %mul3A_726 : vector<16xf32> to vector<1x1x16xf32>
        tpu.vector_store %arg7[%swap3A_727, %swap3A_728, %swap3A_729], %swap3A_732 {strides = array<i32>} : memref<2x16x1000xf32, #tpu.memory_space<vmem>>, vector<1x1x16xf32>,
        %get3A_733 = arith.index_cast %rem3A_69 : i32 to index
        %get3A_734 = arith.index_cast %scan3A_120 : i32 to index
        %get3A_735 = arith.constant 816 : index
        %get3A_736 = tpu.vector_load %arg6[%get3A_733, %get3A_734, %get3A_735] {strides = array<i32>} : memref<2x16x1000xf32, #tpu.memory_space<vmem>>, vector<1x1x16xf32>,
        %get3A_737 = vector.shape_cast %get3A_736 : vector<1x1x16xf32> to vector<16xf32>
        %mul3A_738 = arith.mulf %get3A_737, %div3A_6 : vector<16xf32>
        %swap3A_739 = arith.index_cast %rem3A_69 : i32 to index
        %swap3A_740 = arith.index_cast %scan3A_120 : i32 to index
        %swap3A_741 = arith.constant 816 : index
        %swap3A_742 = tpu.vector_load %arg7[%swap3A_739, %swap3A_740, %swap3A_741] {strides = array<i32>} : memref<2x16x1000xf32, #tpu.memory_space<vmem>>, vector<1x1x16xf32>,
        %swap3A_743 = vector.shape_cast %swap3A_742 : vector<1x1x16xf32> to vector<16xf32>
        %swap3A_744 = vector.shape_cast %mul3A_738 : vector<16xf32> to vector<1x1x16xf32>
        tpu.vector_store %arg7[%swap3A_739, %swap3A_740, %swap3A_741], %swap3A_744 {strides = array<i32>} : memref<2x16x1000xf32, #tpu.memory_space<vmem>>, vector<1x1x16xf32>,
        %get3A_745 = arith.index_cast %rem3A_69 : i32 to index
        %get3A_746 = arith.index_cast %scan3A_120 : i32 to index
        %get3A_747 = arith.constant 832 : index
        %get3A_748 = tpu.vector_load %arg6[%get3A_745, %get3A_746, %get3A_747] {strides = array<i32>} : memref<2x16x1000xf32, #tpu.memory_space<vmem>>, vector<1x1x16xf32>,
        %get3A_749 = vector.shape_cast %get3A_748 : vector<1x1x16xf32> to vector<16xf32>
        %mul3A_750 = arith.mulf %get3A_749, %div3A_6 : vector<16xf32>
        %swap3A_751 = arith.index_cast %rem3A_69 : i32 to index
        %swap3A_752 = arith.index_cast %scan3A_120 : i32 to index
        %swap3A_753 = arith.constant 832 : index
        %swap3A_754 = tpu.vector_load %arg7[%swap3A_751, %swap3A_752, %swap3A_753] {strides = array<i32>} : memref<2x16x1000xf32, #tpu.memory_space<vmem>>, vector<1x1x16xf32>,
        %swap3A_755 = vector.shape_cast %swap3A_754 : vector<1x1x16xf32> to vector<16xf32>
        %swap3A_756 = vector.shape_cast %mul3A_750 : vector<16xf32> to vector<1x1x16xf32>
        tpu.vector_store %arg7[%swap3A_751, %swap3A_752, %swap3A_753], %swap3A_756 {strides = array<i32>} : memref<2x16x1000xf32, #tpu.memory_space<vmem>>, vector<1x1x16xf32>,
        %get3A_757 = arith.index_cast %rem3A_69 : i32 to index
        %get3A_758 = arith.index_cast %scan3A_120 : i32 to index
        %get3A_759 = arith.constant 848 : index
        %get3A_760 = tpu.vector_load %arg6[%get3A_757, %get3A_758, %get3A_759] {strides = array<i32>} : memref<2x16x1000xf32, #tpu.memory_space<vmem>>, vector<1x1x16xf32>,
        %get3A_761 = vector.shape_cast %get3A_760 : vector<1x1x16xf32> to vector<16xf32>
        %mul3A_762 = arith.mulf %get3A_761, %div3A_6 : vector<16xf32>
        %swap3A_763 = arith.index_cast %rem3A_69 : i32 to index
        %swap3A_764 = arith.index_cast %scan3A_120 : i32 to index
        %swap3A_765 = arith.constant 848 : index
        %swap3A_766 = tpu.vector_load %arg7[%swap3A_763, %swap3A_764, %swap3A_765] {strides = array<i32>} : memref<2x16x1000xf32, #tpu.memory_space<vmem>>, vector<1x1x16xf32>,
        %swap3A_767 = vector.shape_cast %swap3A_766 : vector<1x1x16xf32> to vector<16xf32>
        %swap3A_768 = vector.shape_cast %mul3A_762 : vector<16xf32> to vector<1x1x16xf32>
        tpu.vector_store %arg7[%swap3A_763, %swap3A_764, %swap3A_765], %swap3A_768 {strides = array<i32>} : memref<2x16x1000xf32, #tpu.memory_space<vmem>>, vector<1x1x16xf32>,
        %get3A_769 = arith.index_cast %rem3A_69 : i32 to index
        %get3A_770 = arith.index_cast %scan3A_120 : i32 to index
        %get3A_771 = arith.constant 864 : index
        %get3A_772 = tpu.vector_load %arg6[%get3A_769, %get3A_770, %get3A_771] {strides = array<i32>} : memref<2x16x1000xf32, #tpu.memory_space<vmem>>, vector<1x1x16xf32>,
        %get3A_773 = vector.shape_cast %get3A_772 : vector<1x1x16xf32> to vector<16xf32>
        %mul3A_774 = arith.mulf %get3A_773, %div3A_6 : vector<16xf32>
        %swap3A_775 = arith.index_cast %rem3A_69 : i32 to index
        %swap3A_776 = arith.index_cast %scan3A_120 : i32 to index
        %swap3A_777 = arith.constant 864 : index
        %swap3A_778 = tpu.vector_load %arg7[%swap3A_775, %swap3A_776, %swap3A_777] {strides = array<i32>} : memref<2x16x1000xf32, #tpu.memory_space<vmem>>, vector<1x1x16xf32>,
        %swap3A_779 = vector.shape_cast %swap3A_778 : vector<1x1x16xf32> to vector<16xf32>
        %swap3A_780 = vector.shape_cast %mul3A_774 : vector<16xf32> to vector<1x1x16xf32>
        tpu.vector_store %arg7[%swap3A_775, %swap3A_776, %swap3A_777], %swap3A_780 {strides = array<i32>} : memref<2x16x1000xf32, #tpu.memory_space<vmem>>, vector<1x1x16xf32>,
        %get3A_781 = arith.index_cast %rem3A_69 : i32 to index
        %get3A_782 = arith.index_cast %scan3A_120 : i32 to index
        %get3A_783 = arith.constant 880 : index
        %get3A_784 = tpu.vector_load %arg6[%get3A_781, %get3A_782, %get3A_783] {strides = array<i32>} : memref<2x16x1000xf32, #tpu.memory_space<vmem>>, vector<1x1x16xf32>,
        %get3A_785 = vector.shape_cast %get3A_784 : vector<1x1x16xf32> to vector<16xf32>
        %mul3A_786 = arith.mulf %get3A_785, %div3A_6 : vector<16xf32>
        %swap3A_787 = arith.index_cast %rem3A_69 : i32 to index
        %swap3A_788 = arith.index_cast %scan3A_120 : i32 to index
        %swap3A_789 = arith.constant 880 : index
        %swap3A_790 = tpu.vector_load %arg7[%swap3A_787, %swap3A_788, %swap3A_789] {strides = array<i32>} : memref<2x16x1000xf32, #tpu.memory_space<vmem>>, vector<1x1x16xf32>,
        %swap3A_791 = vector.shape_cast %swap3A_790 : vector<1x1x16xf32> to vector<16xf32>
        %swap3A_792 = vector.shape_cast %mul3A_786 : vector<16xf32> to vector<1x1x16xf32>
        tpu.vector_store %arg7[%swap3A_787, %swap3A_788, %swap3A_789], %swap3A_792 {strides = array<i32>} : memref<2x16x1000xf32, #tpu.memory_space<vmem>>, vector<1x1x16xf32>,
        %get3A_793 = arith.index_cast %rem3A_69 : i32 to index
        %get3A_794 = arith.index_cast %scan3A_120 : i32 to index
        %get3A_795 = arith.constant 896 : index
        %get3A_796 = tpu.vector_load %arg6[%get3A_793, %get3A_794, %get3A_795] {strides = array<i32>} : memref<2x16x1000xf32, #tpu.memory_space<vmem>>, vector<1x1x16xf32>,
        %get3A_797 = vector.shape_cast %get3A_796 : vector<1x1x16xf32> to vector<16xf32>
        %mul3A_798 = arith.mulf %get3A_797, %div3A_6 : vector<16xf32>
        %swap3A_799 = arith.index_cast %rem3A_69 : i32 to index
        %swap3A_800 = arith.index_cast %scan3A_120 : i32 to index
        %swap3A_801 = arith.constant 896 : index
        %swap3A_802 = tpu.vector_load %arg7[%swap3A_799, %swap3A_800, %swap3A_801] {strides = array<i32>} : memref<2x16x1000xf32, #tpu.memory_space<vmem>>, vector<1x1x16xf32>,
        %swap3A_803 = vector.shape_cast %swap3A_802 : vector<1x1x16xf32> to vector<16xf32>
        %swap3A_804 = vector.shape_cast %mul3A_798 : vector<16xf32> to vector<1x1x16xf32>
        tpu.vector_store %arg7[%swap3A_799, %swap3A_800, %swap3A_801], %swap3A_804 {strides = array<i32>} : memref<2x16x1000xf32, #tpu.memory_space<vmem>>, vector<1x1x16xf32>,
        %get3A_805 = arith.index_cast %rem3A_69 : i32 to index
        %get3A_806 = arith.index_cast %scan3A_120 : i32 to index
        %get3A_807 = arith.constant 912 : index
        %get3A_808 = tpu.vector_load %arg6[%get3A_805, %get3A_806, %get3A_807] {strides = array<i32>} : memref<2x16x1000xf32, #tpu.memory_space<vmem>>, vector<1x1x16xf32>,
        %get3A_809 = vector.shape_cast %get3A_808 : vector<1x1x16xf32> to vector<16xf32>
        %mul3A_810 = arith.mulf %get3A_809, %div3A_6 : vector<16xf32>
        %swap3A_811 = arith.index_cast %rem3A_69 : i32 to index
        %swap3A_812 = arith.index_cast %scan3A_120 : i32 to index
        %swap3A_813 = arith.constant 912 : index
        %swap3A_814 = tpu.vector_load %arg7[%swap3A_811, %swap3A_812, %swap3A_813] {strides = array<i32>} : memref<2x16x1000xf32, #tpu.memory_space<vmem>>, vector<1x1x16xf32>,
        %swap3A_815 = vector.shape_cast %swap3A_814 : vector<1x1x16xf32> to vector<16xf32>
        %swap3A_816 = vector.shape_cast %mul3A_810 : vector<16xf32> to vector<1x1x16xf32>
        tpu.vector_store %arg7[%swap3A_811, %swap3A_812, %swap3A_813], %swap3A_816 {strides = array<i32>} : memref<2x16x1000xf32, #tpu.memory_space<vmem>>, vector<1x1x16xf32>,
        %get3A_817 = arith.index_cast %rem3A_69 : i32 to index
        %get3A_818 = arith.index_cast %scan3A_120 : i32 to index
        %get3A_819 = arith.constant 928 : index
        %get3A_820 = tpu.vector_load %arg6[%get3A_817, %get3A_818, %get3A_819] {strides = array<i32>} : memref<2x16x1000xf32, #tpu.memory_space<vmem>>, vector<1x1x16xf32>,
        %get3A_821 = vector.shape_cast %get3A_820 : vector<1x1x16xf32> to vector<16xf32>
        %mul3A_822 = arith.mulf %get3A_821, %div3A_6 : vector<16xf32>
        %swap3A_823 = arith.index_cast %rem3A_69 : i32 to index
        %swap3A_824 = arith.index_cast %scan3A_120 : i32 to index
        %swap3A_825 = arith.constant 928 : index
        %swap3A_826 = tpu.vector_load %arg7[%swap3A_823, %swap3A_824, %swap3A_825] {strides = array<i32>} : memref<2x16x1000xf32, #tpu.memory_space<vmem>>, vector<1x1x16xf32>,
        %swap3A_827 = vector.shape_cast %swap3A_826 : vector<1x1x16xf32> to vector<16xf32>
        %swap3A_828 = vector.shape_cast %mul3A_822 : vector<16xf32> to vector<1x1x16xf32>
        tpu.vector_store %arg7[%swap3A_823, %swap3A_824, %swap3A_825], %swap3A_828 {strides = array<i32>} : memref<2x16x1000xf32, #tpu.memory_space<vmem>>, vector<1x1x16xf32>,
        %get3A_829 = arith.index_cast %rem3A_69 : i32 to index
        %get3A_830 = arith.index_cast %scan3A_120 : i32 to index
        %get3A_831 = arith.constant 944 : index
        %get3A_832 = tpu.vector_load %arg6[%get3A_829, %get3A_830, %get3A_831] {strides = array<i32>} : memref<2x16x1000xf32, #tpu.memory_space<vmem>>, vector<1x1x16xf32>,
        %get3A_833 = vector.shape_cast %get3A_832 : vector<1x1x16xf32> to vector<16xf32>
        %mul3A_834 = arith.mulf %get3A_833, %div3A_6 : vector<16xf32>
        %swap3A_835 = arith.index_cast %rem3A_69 : i32 to index
        %swap3A_836 = arith.index_cast %scan3A_120 : i32 to index
        %swap3A_837 = arith.constant 944 : index
        %swap3A_838 = tpu.vector_load %arg7[%swap3A_835, %swap3A_836, %swap3A_837] {strides = array<i32>} : memref<2x16x1000xf32, #tpu.memory_space<vmem>>, vector<1x1x16xf32>,
        %swap3A_839 = vector.shape_cast %swap3A_838 : vector<1x1x16xf32> to vector<16xf32>
        %swap3A_840 = vector.shape_cast %mul3A_834 : vector<16xf32> to vector<1x1x16xf32>
        tpu.vector_store %arg7[%swap3A_835, %swap3A_836, %swap3A_837], %swap3A_840 {strides = array<i32>} : memref<2x16x1000xf32, #tpu.memory_space<vmem>>, vector<1x1x16xf32>,
        %get3A_841 = arith.index_cast %rem3A_69 : i32 to index
        %get3A_842 = arith.index_cast %scan3A_120 : i32 to index
        %get3A_843 = arith.constant 960 : index
        %get3A_844 = tpu.vector_load %arg6[%get3A_841, %get3A_842, %get3A_843] {strides = array<i32>} : memref<2x16x1000xf32, #tpu.memory_space<vmem>>, vector<1x1x16xf32>,
        %get3A_845 = vector.shape_cast %get3A_844 : vector<1x1x16xf32> to vector<16xf32>
        %mul3A_846 = arith.mulf %get3A_845, %div3A_6 : vector<16xf32>
        %swap3A_847 = arith.index_cast %rem3A_69 : i32 to index
        %swap3A_848 = arith.index_cast %scan3A_120 : i32 to index
        %swap3A_849 = arith.constant 960 : index
        %swap3A_850 = tpu.vector_load %arg7[%swap3A_847, %swap3A_848, %swap3A_849] {strides = array<i32>} : memref<2x16x1000xf32, #tpu.memory_space<vmem>>, vector<1x1x16xf32>,
        %swap3A_851 = vector.shape_cast %swap3A_850 : vector<1x1x16xf32> to vector<16xf32>
        %swap3A_852 = vector.shape_cast %mul3A_846 : vector<16xf32> to vector<1x1x16xf32>
        tpu.vector_store %arg7[%swap3A_847, %swap3A_848, %swap3A_849], %swap3A_852 {strides = array<i32>} : memref<2x16x1000xf32, #tpu.memory_space<vmem>>, vector<1x1x16xf32>,
        %get3A_853 = arith.index_cast %rem3A_69 : i32 to index
        %get3A_854 = arith.index_cast %scan3A_120 : i32 to index
        %get3A_855 = arith.constant 976 : index
        %get3A_856 = tpu.vector_load %arg6[%get3A_853, %get3A_854, %get3A_855] {strides = array<i32>} : memref<2x16x1000xf32, #tpu.memory_space<vmem>>, vector<1x1x16xf32>,
        %get3A_857 = vector.shape_cast %get3A_856 : vector<1x1x16xf32> to vector<16xf32>
        %mul3A_858 = arith.mulf %get3A_857, %div3A_6 : vector<16xf32>
        %swap3A_859 = arith.index_cast %rem3A_69 : i32 to index
        %swap3A_860 = arith.index_cast %scan3A_120 : i32 to index
        %swap3A_861 = arith.constant 976 : index
        %swap3A_862 = tpu.vector_load %arg7[%swap3A_859, %swap3A_860, %swap3A_861] {strides = array<i32>} : memref<2x16x1000xf32, #tpu.memory_space<vmem>>, vector<1x1x16xf32>,
        %swap3A_863 = vector.shape_cast %swap3A_862 : vector<1x1x16xf32> to vector<16xf32>
        %swap3A_864 = vector.shape_cast %mul3A_858 : vector<16xf32> to vector<1x1x16xf32>
        tpu.vector_store %arg7[%swap3A_859, %swap3A_860, %swap3A_861], %swap3A_864 {strides = array<i32>} : memref<2x16x1000xf32, #tpu.memory_space<vmem>>, vector<1x1x16xf32>,
        %get3A_865 = arith.index_cast %rem3A_69 : i32 to index
        %get3A_866 = arith.index_cast %scan3A_120 : i32 to index
        %get3A_867 = arith.constant 984 : index
        %get3A_868 = tpu.vector_load %arg6[%get3A_865, %get3A_866, %get3A_867] {strides = array<i32>} : memref<2x16x1000xf32, #tpu.memory_space<vmem>>, vector<1x1x16xf32>,
        %get3A_869 = vector.shape_cast %get3A_868 : vector<1x1x16xf32> to vector<16xf32>
        %mul3A_870 = arith.mulf %get3A_869, %div3A_6 : vector<16xf32>
        %swap3A_871 = arith.index_cast %rem3A_69 : i32 to index
        %swap3A_872 = arith.index_cast %scan3A_120 : i32 to index
        %swap3A_873 = arith.constant 984 : index
        %swap3A_874 = tpu.vector_load %arg7[%swap3A_871, %swap3A_872, %swap3A_873] {strides = array<i32>} : memref<2x16x1000xf32, #tpu.memory_space<vmem>>, vector<1x1x16xf32>,
        %swap3A_875 = vector.shape_cast %swap3A_874 : vector<1x1x16xf32> to vector<16xf32>
        %swap3A_876 = vector.shape_cast %mul3A_870 : vector<16xf32> to vector<1x1x16xf32>
        tpu.vector_store %arg7[%swap3A_871, %swap3A_872, %swap3A_873], %swap3A_876 {strides = array<i32>} : memref<2x16x1000xf32, #tpu.memory_space<vmem>>, vector<1x1x16xf32>,
        %scan3A_877 = arith.constant 0 : i32
        scf.yield %scan3A_877 : i32
      }
      %scan3A_101 = arith.constant 16 : i32
      %mul3A_102 = arith.constant 16 : i32
      %mul3A_103 = arith.muli %scan3A_66, %mul3A_102 : i32
      %add3A_104 = arith.addi %mul3A_2, %mul3A_103 : i32
      %dma_start3A_105 = arith.constant 0 : i32
      %dma_start3A_106 = arith.constant 0 : i32
      %dma_start3A_107 = tpu.memref_slice %arg7[%rem3A_69, %dma_start3A_105, %dma_start3A_106] : memref<2x16x1000xf32, #tpu.memory_space<vmem>> -> memref<1x16x1000xf32, #tpu.memory_space<vmem>>
      %dma_start3A_108 = tpu.memref_squeeze %dma_start3A_107 : memref<1x16x1000xf32, #tpu.memory_space<vmem>> -> memref<16x1000xf32, #tpu.memory_space<vmem>>
      %dma_start3A_109 = arith.constant 0 : i32
      %dma_start3A_110 = tpu.memref_slice %arg4[%add3A_104, %dma_start3A_109] : memref<16384x1000xf32, #tpu.memory_space<hbm>> -> memref<16x1000xf32, #tpu.memory_space<hbm>>
      %dma_start3A_111 = tpu.memref_slice %arg9[%rem3A_69] : memref<2x!tpu.dma_semaphore, #tpu.memory_space<semaphore_mem>> -> memref<1x!tpu.dma_semaphore, #tpu.memory_space<semaphore_mem>>
      %dma_start3A_112 = tpu.memref_squeeze %dma_start3A_111 : memref<1x!tpu.dma_semaphore, #tpu.memory_space<semaphore_mem>> -> memref<!tpu.dma_semaphore, #tpu.memory_space<semaphore_mem>>
      %dma_start3A_113 = arith.constant 0 : i32
      %dma_start3A_114 = tpu.memref_slice %arg4[%add3A_104, %dma_start3A_113] : memref<16384x1000xf32, #tpu.memory_space<hbm>> -> memref<16x1000xf32, #tpu.memory_space<hbm>>
      %dma_start3A_115 = arith.constant 0 : i32
      %dma_start3A_116 = arith.constant 0 : i32
      %dma_start3A_117 = tpu.memref_slice %arg7[%rem3A_69, %dma_start3A_115, %dma_start3A_116] : memref<2x16x1000xf32, #tpu.memory_space<vmem>> -> memref<1x16x1000xf32, #tpu.memory_space<vmem>>
      %dma_start3A_118 = tpu.memref_squeeze %dma_start3A_117 : memref<1x16x1000xf32, #tpu.memory_space<vmem>> -> memref<16x1000xf32, #tpu.memory_space<vmem>>
      tpu.enqueue_dma source(%dma_start3A_118 : memref<16x1000xf32, #tpu.memory_space<vmem>>) target(%dma_start3A_114 : memref<16x1000xf32, #tpu.memory_space<hbm>>) target_semaphore(%dma_start3A_112 : memref<!tpu.dma_semaphore, #tpu.memory_space<semaphore_mem>>)
      %scan3A_119 = arith.constant 0 : i32
      scf.yield %scan3A_119 : i32
    }
    %scan3A_29 = arith.constant 32 : i32
    %rem3A = arith.constant 30 : i32
    %rem3A_30 = arith.constant 2 : i32
    %rem3A_31 = arith.remsi %rem3A, %rem3A_30 : i32
    %add3A_32 = arith.constant 480 : i32
    %add3A_33 = arith.addi %mul3A_2, %add3A_32 : i32
    %dma_wait3A = arith.constant 0 : i32
    %dma_wait3A_34 = arith.constant 0 : i32
    %dma_wait3A_35 = tpu.memref_slice %arg7[%rem3A_31, %dma_wait3A, %dma_wait3A_34] : memref<2x16x1000xf32, #tpu.memory_space<vmem>> -> memref<1x16x1000xf32, #tpu.memory_space<vmem>>
    %dma_wait3A_36 = tpu.memref_squeeze %dma_wait3A_35 : memref<1x16x1000xf32, #tpu.memory_space<vmem>> -> memref<16x1000xf32, #tpu.memory_space<vmem>>
    %dma_wait3A_37 = arith.constant 0 : i32
    %dma_wait3A_38 = tpu.memref_slice %arg4[%add3A_33, %dma_wait3A_37] : memref<16384x1000xf32, #tpu.memory_space<hbm>> -> memref<16x1000xf32, #tpu.memory_space<hbm>>
    %dma_wait3A_39 = tpu.memref_slice %arg9[%rem3A_31] : memref<2x!tpu.dma_semaphore, #tpu.memory_space<semaphore_mem>> -> memref<1x!tpu.dma_semaphore, #tpu.memory_space<semaphore_mem>>
    %dma_wait3A_40 = tpu.memref_squeeze %dma_wait3A_39 : memref<1x!tpu.dma_semaphore, #tpu.memory_space<semaphore_mem>> -> memref<!tpu.dma_semaphore, #tpu.memory_space<semaphore_mem>>
    %dma_wait3A_41 = arith.constant 0 : i32
    %dma_wait3A_42 = tpu.memref_slice %arg4[%add3A_33, %dma_wait3A_41] : memref<16384x1000xf32, #tpu.memory_space<hbm>> -> memref<16x1000xf32, #tpu.memory_space<hbm>>
    %dma_wait3A_43 = arith.constant 0 : i32
    %dma_wait3A_44 = arith.constant 0 : i32
    %dma_wait3A_45 = tpu.memref_slice %arg7[%rem3A_31, %dma_wait3A_43, %dma_wait3A_44] : memref<2x16x1000xf32, #tpu.memory_space<vmem>> -> memref<1x16x1000xf32, #tpu.memory_space<vmem>>
    %dma_wait3A_46 = tpu.memref_squeeze %dma_wait3A_45 : memref<1x16x1000xf32, #tpu.memory_space<vmem>> -> memref<16x1000xf32, #tpu.memory_space<vmem>>
    tpu.wait_dma2 semaphore(%dma_wait3A_40 : memref<!tpu.dma_semaphore, #tpu.memory_space<semaphore_mem>>) src(%dma_wait3A_46 : memref<16x1000xf32, #tpu.memory_space<vmem>>) dst(%dma_wait3A_42 : memref<16x1000xf32, #tpu.memory_space<hbm>>)
    %rem3A_47 = arith.constant 31 : i32
    %rem3A_48 = arith.constant 2 : i32
    %rem3A_49 = arith.remsi %rem3A_47, %rem3A_48 : i32
    %add3A_50 = arith.constant 496 : i32
    %add3A_51 = arith.addi %mul3A_2, %add3A_50 : i32
    %dma_wait3A_52 = arith.constant 0 : i32
    %dma_wait3A_53 = arith.constant 0 : i32
    %dma_wait3A_54 = tpu.memref_slice %arg7[%rem3A_49, %dma_wait3A_52, %dma_wait3A_53] : memref<2x16x1000xf32, #tpu.memory_space<vmem>> -> memref<1x16x1000xf32, #tpu.memory_space<vmem>>
    %dma_wait3A_55 = tpu.memref_squeeze %dma_wait3A_54 : memref<1x16x1000xf32, #tpu.memory_space<vmem>> -> memref<16x1000xf32, #tpu.memory_space<vmem>>
    %dma_wait3A_56 = arith.constant 0 : i32
    %dma_wait3A_57 = tpu.memref_slice %arg4[%add3A_51, %dma_wait3A_56] : memref<16384x1000xf32, #tpu.memory_space<hbm>> -> memref<16x1000xf32, #tpu.memory_space<hbm>>
    %dma_wait3A_58 = tpu.memref_slice %arg9[%rem3A_49] : memref<2x!tpu.dma_semaphore, #tpu.memory_space<semaphore_mem>> -> memref<1x!tpu.dma_semaphore, #tpu.memory_space<semaphore_mem>>
    %dma_wait3A_59 = tpu.memref_squeeze %dma_wait3A_58 : memref<1x!tpu.dma_semaphore, #tpu.memory_space<semaphore_mem>> -> memref<!tpu.dma_semaphore, #tpu.memory_space<semaphore_mem>>
    %dma_wait3A_60 = arith.constant 0 : i32
    %dma_wait3A_61 = tpu.memref_slice %arg4[%add3A_51, %dma_wait3A_60] : memref<16384x1000xf32, #tpu.memory_space<hbm>> -> memref<16x1000xf32, #tpu.memory_space<hbm>>
    %dma_wait3A_62 = arith.constant 0 : i32
    %dma_wait3A_63 = arith.constant 0 : i32
    %dma_wait3A_64 = tpu.memref_slice %arg7[%rem3A_49, %dma_wait3A_62, %dma_wait3A_63] : memref<2x16x1000xf32, #tpu.memory_space<vmem>> -> memref<1x16x1000xf32, #tpu.memory_space<vmem>>
    %dma_wait3A_65 = tpu.memref_squeeze %dma_wait3A_64 : memref<1x16x1000xf32, #tpu.memory_space<vmem>> -> memref<16x1000xf32, #tpu.memory_space<vmem>>
    tpu.wait_dma2 semaphore(%dma_wait3A_59 : memref<!tpu.dma_semaphore, #tpu.memory_space<semaphore_mem>>) src(%dma_wait3A_65 : memref<16x1000xf32, #tpu.memory_space<vmem>>) dst(%dma_wait3A_61 : memref<16x1000xf32, #tpu.memory_space<hbm>>)
    return
  }
}

</mosaic_0001>

<sc_bundles>
// kernel: kernel.3.cloned.1.call-start
scs
__scs_entry_jumppad:
0x0: {  	(pc) =	sbr.rel $0x88, $3  }
0x1: {  	(tag) =	ssettag $0x0;
	lr =	simm.s32 $0x1  }
0x2: {  	[smem:$0x3F9F] =	sst lr;
	_ =	strace $0xD0000000  }
0x3: {  	_ = 	snop  }
0x4: {  	_ = 	snop  }
0x5: {  	_ = 	snop  }
0x6: {  	_ = 	snop  }
0x7: {  	_ = 	snop  }
__scs_overlays_trampoline_lowered:
0x8: {  	[smem:$0x3FAE] =	sst s0  }
0x9: {  	[smem:$0x3FAF] =	sst s1  }
0xa: {  	[smem:$0x3FB0] =	sst s2  }
0xb: {  	[smem:$0x3FB1] =	sst s3  }
0xc: {  	[smem:$0x3FB2] =	sst s4  }
0xd: {  	[smem:$0x3FB3] =	sst s5  }
0xe: {  	[smem:$0x3FB4] =	sst s6  }
0xf: {  	[smem:$0x3FB5] =	sst s7  }
0x10: {  	[smem:$0x3FB6] =	sst s8  }
0x11: {  	[smem:$0x3FB7] =	sst s9;
	s0 =	simm.s32 @!p0 $0x0  }
0x12: {  	s1 =	sld [smem:$0x3F9D];
	s0 =	simm.s32 @p0 $0x1  }
0x13: {  	[smem:$0x3FB8] =	sst s0;
	s0 =	simm.s32 @!p1 $0x0  }
0x14: {  	s2 =	sld [smem:$0x3F9C];
	s0 =	simm.s32 @p1 $0x1  }
0x15: {  	[smem:$0x3FB9] =	sst s0;
	s0 =	simm.s32 @!p2 $0x0  }
0x16: {  	s3 =	sld [smem:$0x3FDB];
	s0 =	simm.s32 @p2 $0x1  }
0x17: {  	s4 =	simm.s32 $0x1BF5;
	[smem:$0x3FBB] =	sst s0  }
0x18: {  	s0 =	sld [smem:$0x3F9E];
	_ =	swait.ge [sflag:s4], $0x0  }
0x19: {  	s7 =	sld [smem:$0x3F9F]  }
0x1a: {  	s8 =	sadd.s32 $0xFFFFE003, lr  }
0x1b: {  	s9 =	sadd.s32 $0xFFFFFEF7, lr;
	s5 =	simm.s32 $0xFFFFFFFF;
	p2 =	slt.u32 s8, $0xFFFFF086  }
0x1c: {  	p1 =	slt.u32 s9, $0xF7A;
	s5 =	simm.s32 @!p2 $0x0  }
0x1d: {  	s5 =	simm.s32 @p1 $0x1;
	p0 =	seq.s32 s7, s2  }
0x1e: {  	s7 =	smul.u32 @!p0 $0xF7A, s2;
	p2 =	seq.s32 @!p0 s5, $0x0  }
0x1f: {  	s9 =	smul.u32 $0xF7A, s1;
	s8 =	simm.s32 @!p0 $0x1BF5;
	p2 =	por !p2, p0  }
0x20: {  	[sflag:s8] =	ssyncset.s32 @!p0 $0xFFFFF086;
	s6 =	sadd.s32 @!p0 s3, s7;
	s7 =	simm.s32 @!p0 $0x108  }
0x21: {  	s3 =	sadd.s32 s3, s9;
	s6 =	sadd.s32 @!p0 $0x88, s6;
	s7 =	simm.s32 @p2 $0x1082  }
0x22: {  	[simem:s7], [sflag:s8] =	dma.local @!p0 [hbm:s6], $0xF7A  }
0x23: {  	s9 =	sor.u32 $0xD0000000, s2;
	s6 =	simm.s32 $0x108;
	_ =	swait.ge @!p0 [sflag:s8], $0x0  }
0x24: {  	s3 =	sadd.s32 $0x88, s3;
	s6 =	simm.s32 @!p1 $0x1082;
	[sflag:s4] =	ssyncset.s32 $0xFFFFF086  }
0x25: {  	[simem:s6], [sflag:s4] =	dma.local [hbm:s3], $0xF7A  }
0x26: {  	[smem:$0x3F9F] =	sst s1;
	(tag) =	ssettag s2;
	_ =	strace s9  }
0x27: {  	s1 =	sld [smem:$0x3FAF]  }
0x28: {  	s2 =	sld [smem:$0x3FB0]  }
0x29: {  	s4 =	sld [smem:$0x3FB2]  }
0x2a: {  	p0 =	seq.s32 s5, $0x0;
	s5 =	sld [smem:$0x3FB3]  }
0x2b: {  	s6 =	sld [smem:$0x3FB4]  }
0x2c: {  	s7 =	sld [smem:$0x3FB5]  }
0x2d: {  	s3 =	simm.s32 $0x108;
	s8 =	sld [smem:$0x3FB6]  }
0x2e: {  	s3 =	simm.s32 @!p0 $0x1082;
	s9 =	sld [smem:$0x3FB7]  }
0x2f: {  	lr =	sadd.s32 s0, s3;
	s0 =	sld [smem:$0x3FAE]  }
0x30: {  	s3 =	sld [smem:$0x3FB1]  }
0x31: {  	[smem:$0x3FBA] =	sst s10  }
0x32: {  	s10 =	sld [smem:$0x3FB8];
	_ =	sdelay $0x3  }
0x33: {  	p0 =	seq.s32 s10, $0x1;
	s10 =	sld [smem:$0x3FBA];
	_ =	sdelay $0x3  }
0x34: {  	[smem:$0x3FBA] =	sst s10  }
0x35: {  	s10 =	sld [smem:$0x3FB9];
	_ =	sdelay $0x3  }
0x36: {  	p1 =	seq.s32 s10, $0x1;
	s10 =	sld [smem:$0x3FBA];
	_ =	sdelay $0x3  }
0x37: {  	[smem:$0x3FBA] =	sst s10  }
0x38: {  	s10 =	sld [smem:$0x3FBB]  }
0x39: {  	_ = 	snop;
	(pc) =	sbr.ind lr, $3  }
0x3a: {  	_ = 	snop  }
0x3b: {  	_ = 	snop  }
0x3c: {  	p2 =	seq.s32 s10, $0x1;
	s10 =	sld [smem:$0x3FBA]  }
0x3d: {  	_ =	shalt  }
0x3e: {  	_ =	shalt  }
0x3f: {  	_ =	shalt  }
0x40: {  	_ =	shalt  }
0x41: {  	_ =	shalt  }
0x42: {  	_ =	shalt  }
0x43: {  	_ =	shalt  }
0x44: {  	_ =	shalt  }
0x45: {  	_ =	shalt  }
0x46: {  	_ =	shalt  }
0x47: {  	_ =	shalt  }
0x48: {  	_ =	shalt  }
0x49: {  	_ =	shalt  }
0x4a: {  	_ =	shalt  }
0x4b: {  	_ =	shalt  }
0x4c: {  	_ =	shalt  }
0x4d: {  	_ =	shalt  }
0x4e: {  	_ =	shalt  }
0x4f: {  	_ =	shalt  }
0x50: {  	_ =	shalt  }
0x51: {  	_ =	shalt  }
0x52: {  	_ =	shalt  }
0x53: {  	_ =	shalt  }
0x54: {  	_ =	shalt  }
0x55: {  	_ =	shalt  }
0x56: {  	_ =	shalt  }
0x57: {  	_ =	shalt  }
0x58: {  	_ =	shalt  }
0x59: {  	_ =	shalt  }
0x5a: {  	_ =	shalt  }
0x5b: {  	_ =	shalt  }
0x5c: {  	_ =	shalt  }
0x5d: {  	_ =	shalt  }
0x5e: {  	_ =	shalt  }
0x5f: {  	_ =	shalt  }
0x60: {  	_ =	shalt  }
0x61: {  	_ =	shalt  }
0x62: {  	_ =	shalt  }
0x63: {  	_ =	shalt  }
0x64: {  	_ =	shalt  }
0x65: {  	_ =	shalt  }
0x66: {  	_ =	shalt  }
0x67: {  	_ =	shalt  }
0x68: {  	_ =	shalt  }
0x69: {  	_ =	shalt  }
0x6a: {  	_ =	shalt  }
0x6b: {  	_ =	shalt  }
0x6c: {  	_ =	shalt  }
0x6d: {  	_ =	shalt  }
0x6e: {  	_ =	shalt  }
0x6f: {  	_ =	shalt  }
0x70: {  	_ =	shalt  }
0x71: {  	_ =	shalt  }
0x72: {  	_ =	shalt  }
0x73: {  	_ =	shalt  }
0x74: {  	_ =	shalt  }
0x75: {  	_ =	shalt  }
0x76: {  	_ =	shalt  }
0x77: {  	_ =	shalt  }
0x78: {  	_ =	shalt  }
0x79: {  	_ =	shalt  }
0x7a: {  	_ =	shalt  }
0x7b: {  	_ =	shalt  }
0x7c: {  	_ =	shalt  }
0x7d: {  	_ =	shalt  }
0x7e: {  	_ =	shalt  }
0x7f: {  	_ =	shalt  }
0x80: {  	_ =	shalt  }
0x81: {  	_ =	shalt  }
0x82: {  	_ =	shalt  }
0x83: {  	_ =	shalt  }
0x84: {  	_ =	shalt  }
0x85: {  	_ =	shalt  }
0x86: {  	_ =	shalt  }
0x87: {  	_ =	shalt  }
.Lfunc_end0:
.L_simem_size_0:
called_computation_lowered:
.L_overlay_start_0:
0x88: {  	s2 =	sld [smem:$0x3FD9]  }
0x89: {  	s3 =	sld [smem:$0x3FFE];
	_ =	sdelay $0x1  }
0x8a: {  	s1 =	srdreg.scid  }
0x8b: {  	s0 =	sand.u32 $0x1, s1  }
0x8c: {  	s17 =	sshll.u32 s0, $0xA;
	s2 =	sadd.s32 s3, s2  }
0x8d: {  	s2 =	sadd.s32 s2, s17  }
0x8e: {  	[smem:$0x3FC6] =	sst s2  }
0x8f: {  	_ = 	snop  }
0x90: {  	s2 =	sld [smem:$0x3FD0];
	(tm) =	ssettm $0x1  }
0x91: {  	s18 =	sld [smem:$0x3FFB];
	_ =	sdelay $0x3  }
0x92: {  	_ =	strace s18  }
0x93: {  	s3 =	sld [smem:$0x3FFC];
	_ =	sdelay $0x3  }
0x94: {  	_ =	strace s3  }
0x95: {  	s3 =	sld [smem:$0x3FFD];
	_ =	sdelay $0x3  }
0x96: {  	_ =	strace s3  }
0x97: {  	_ =	strace $0x8FFFFFFF  }
0x98: {  	s19 =	sld [smem:$0x3FDB];
	_ =	sdelay $0x1  }
0x99: {  	s4 =	simm.s32 $_scs_section_size  }
0x9a: {  	s5 =	simm.s32 $_size__tile_overlayer_lowered;
	s6 =	simm.s32 $_tile_overlayer_lowered  }
0x9b: {  	s22 =	simm.s32 $0x1BFF;
	s21 =	sshll.u32 s6, $0x1;
	s3 =	sadd.s32 s4, s19  }
0x9c: {  	s7 =	simm.s32 $0x0;
	s20 =	sshll.u32 s5, $0x1;
	s5 =	sadd.s32 s21, s3  }
0x9d: {  	[timem:s7], [sflag:s22] =	dma.local [hbm:s5], s20  }
0x9e: {  	_ =	swait.ge [sflag:s22], s20  }
0x9f: {  	s4 =	ssub.s32 $0x0, s20;
	[sflag:s22] =	ssyncset.done $0x0  }
0xa0: {  	[sflag:s22] =	ssyncadd.s32 s4;
	_ =	sdelay $0x1  }
0xa1: {  	s23 =	simm.s32 $0x1B8B  }
0xa2: {  	_ =	swait.ge [sflag:s23], $0x1  }
0xa3: {  	[sflag:s23] =	ssyncset.done $0x0  }
0xa4: {  	s25 =	simm.s32 $0x1B8E;
	s24 =	sld [smem:$0x3FFE];
	[sflag:s23] =	ssyncadd.s32 $0xFFFFFFFF  }
0xa5: {  	s26 =	simm.s32 $execute0_lowered;
	[smem:$0x3FD2] =	sst s25  }
0xa6: {  	s5 =	sshll.u32 s26, $0x1;
	_ =	strace $0x80000046;
	[dreg:$0x1] =	wrdreg $0xFFFFFFFF  }
0xa7: {  	s28 =	simm.s32 $_size_execute0_lowered;
	s3 =	sadd.s32 s3, s5;
	[dreg:$0x0] =	wrdreg $0x0  }
0xa8: {  	s5 =	sshll.u32 s28, $0x1;
	[dreg:$0x2] =	wrdreg s3  }
0xa9: {  	[dreg:$0x3] =	wrdreg s5  }
0xaa: {  	[dreg:$0x4] =	wrdreg $0xC0  }
0xab: {  	_ =	task [dreg:s7], $0x5FFFF  }
0xac: {  	[dreg:$0x1] =	wrdreg $0xFFFFFFFF  }
0xad: {  	[dreg:$0x0] =	wrdreg $0x60  }
0xae: {  	[dreg:$0x2] =	wrdreg s2  }
0xaf: {  	[dreg:$0x3] =	wrdreg s24  }
0xb0: {  	[dreg:$0x4] =	wrdreg $0x9  }
0xb1: {  	_ =	task.clear_ibuf [dreg:s7], $0x5FFFF;
	_ =	strace $0x90000046  }
0xb2: {  	s29 =	simm.s32 $0x9;
	_ =	strace $0x80000048  }
0xb3: {  	_ =	swait.ge [sflag:s29], $0x1  }
0xb4: {  	[sflag:s29] =	ssyncadd.s32 $0xFFFFFFFF  }
0xb5: {  	_ =	strace $0x90000048  }
0xb6: {  	_ =	sfence  }
0xb7: {  	s30 =	sld [smem:$0x0];
	_ =	sdelay $0x2  }
0xb8: {  	s31 =	sshll.u32 s1, $0xD;
	s1 =	sshrl.u32 s1, $0x2  }
0xb9: {  	s3 =	sand.u32 $0x4000, s31;
	s1 =	sadd.s32 s1, s30  }
0xba: {  	s0 =	sor.u32 s3, s0;
	s1 =	sshll.u32 s1, $0x11  }
0xbb: {  	s0 =	sor.u32 s1, s0  }
0xbc: {  	s0 =	sadd.s32 $0x8F2B, s0  }
0xbd: {  	[sflag:s0] =	ssyncadd.remote.s32 $0x1  }
0xbe: {  	_ =	sfence.sel $0xFFFF  }
0xbf: {  	[dreg:$0x0] =	wrdreg $0xFFFFFFFF;
	(pc) =	sbr.abs _section_cstart, $3  }
0xc0: {  	[dreg:$0x1] =	wrdreg $0xFFFFFFFF  }
0xc1: {  	_ =	task.clear_ibuf [dreg:s7], $0x2FFFF;
	_ =	strace $0x9FFFFFFF  }
0xc2: {  	(tm) =	ssettm $0x7FFFFFFF  }
0xc3: {  	_ =	shalt  }
tec
execute0_lowered:
.L_overlay_start_1:
0x0: {  	(tag) =	ssettag $0x1  }
0x1: {  	s2 =	rddreg [dreg:$0x0]  }
0x2: {  	s4 =	rddreg [dreg:$0x1];
	s3 =	srdreg.scid  }
0x3: {  	s0 =	rddreg [dreg:$0x2];
	s1 =	stileid.u32;
	v0 =	vimm.s32 $0xFEDCBA98;
	s8 =	simm.s32 $0x80  }
0x4: {  	v1 =	vimm.s32 $0x76543210;
	s9 =	simm.s32 $0x3;
	s10 =	simm.s32 $0x4;
	s11 =	simm.s32 $0x0;
	v0 =	vunpack.c.l.s4.s8 v0  }
0x5: {  	s5 =	sand.u32 $0x1, s3;
	s3 =	simm.s32 $0x0;
	s6 =	sshll.u32 s1, $0x11;
	v1 =	vunpack.c.l.s4.s8 v1  }
0x6: {  	s7 =	sshll.u32 s5, $0x10;
	[smem:$0x7FF] =	sst s3;
	s5 =	ssub.s32 $0x2, s5;
	v0 =	vunpack.c.0.s8.s32 v0  }
0x7: {  	s6 =	sor.u32 s7, s6;
	_ =	strace $0x80000047;
	s30 =	sshrl.u32 s5, $0x1;
	v1 =	vunpack.c.0.s8.s32 v1  }
0x8: {  	s7 =	simm.s32 $0x5;
	s6 =	sadd.s32 s6, s4;
	s31 =	ssub.s32 s5, s30;
	v0 =	vand.u32 $0xF, v0  }
0x9: {  	s4 =	sadd.s32 $0x400, s6;
	s5 =	sadd.s32 $0x200400, s6;
	s6 =	smax.u32 s31, $0x1;
	v0 =	vcombine.low v0, v1  }
.LBB2_1:
0xa: {  	[tilespmem:s3], [sflag:$0x5] =	stream.linear.gather [hbm4b:s2+s3], $0x80, $0x38;
	[tilespmem:$0x10080] =	vst v63  }
0xb: {  	_ =	swait.ge [sflag:s7], $0x80  }
0xc: {  	[sflag:s7] =	ssyncset.done $0x0  }
0xd: {  	[sflag:s7] =	ssyncadd.s32 $0xFFFFFF80  }
0xe: {  	v1 =	vld [tilespmem:$0x0];
	_ =	sdelay $0x4  }
0xf: {  	(erf) = vrcp.f32 v1;
	_ =	sdelay $0x8  }
0x10: {  	s12 =	simm.s32 $0x0;
	v1 =	vpop (erf)  }
0x11: {  	[tilespmem:s8], [sflag:$0x1] =	stream.linear.gather [hbm4b:s4+s3], $0x4000, $0x38;
	v2 =	vperm.xlane v1, v0;
	[tilespmem:$0x10080] =	vst v63  }
.LBB2_2:
0x12: {  	s14 =	sand.u32 $0x1, s12;
	p0 =	seq.s32 s12, $0x1F;
	s13 =	sadd.s32 $0x1, s12  }
0x13: {  	s15 =	sxor.u32 @!p0 $0x1, s14;
	s17 =	sshll.u32 @!p0 s13, $0xB  }
0x14: {  	s18 =	simm.s32 @!p0 $0x0;
	s26 =	sadd.s32 $0x1, s14;
	s16 =	sshll.u32 @!p0 s15, $0xE  }
0x15: {  	s15 =	sadd.s32 @!p0 $0x1, s15;
	s17 =	sadd.s32 @!p0 s17, s4;
	s16 =	sor.u32 @!p0 $0x80, s16  }
0x16: {  	[tilespmem:s16], [sflag:s15] =	stream.linear.gather @!p0 [hbm4b:s17+s18], $0x4000, $0x38;
	[tilespmem:$0x10080] =	vst v63  }
0x17: {  	_ =	swait.ge [sflag:s26], $0x4000  }
0x18: {  	p0 =	slt.u32 s12, $0x2;
	[sflag:s26] =	ssyncset.done $0x0  }
0x19: {  	s28 =	simm.s32 $0x0;
	s16 =	sadd.s32 @!p0 $0x3, s14;
	[sflag:s26] =	ssyncadd.s32 $0xFFFFC000  }
0x1a: {  	s29 =	sand.u32 $0x2000, s28;
	s15 =	sshll.u32 s14, $0xE;
	_ =	swait.ge @!p0 [sflag:s16], $0x4000  }
0x1b: {  	s17 =	sand.u32 $0x380, s28;
	s18 =	sor.u32 s15, s29;
	[sflag:s16] =	ssyncset.done @!p0 $0x0  }
0x1c: {  	[sflag:s16] =	ssyncadd.s32 @!p0 $0xFFFFC000;
	s16 =	sor.u32 s17, s18  }
0x1d: {  	v3 =	vld [tilespmem:s16+$0x1CD0]  }
0x1e: {  	v4 =	vld [tilespmem:s16+$0x80]  }
0x1f: {  	v5 =	vld [tilespmem:s16+$0x90]  }
0x20: {  	v6 =	vld [tilespmem:s16+$0xA0]  }
0x21: {  	v7 =	vld [tilespmem:s16+$0xB0]  }
0x22: {  	v8 =	vld [tilespmem:s16+$0xC0]  }
0x23: {  	v10 =	vld [tilespmem:s16+$0xD0]  }
0x24: {  	v11 =	vld [tilespmem:s16+$0xE0];
	v9 =	vmul.f32 v3, v1  }
0x25: {  	v3 =	vmul.f32 v2, v3  }
0x26: {  	v4 =	vmul.f32 v4, v1;
	[tilespmem:s16+$0x9CD0] =	vst v9  }
0x27: {  	v9 =	vld [tilespmem:s16+$0xF0];
	[tilespmem:s16+$0x9CD0] =	vst v3;
	v3 =	vmul.f32 v5, v1;
	v5 =	vmul.f32 v6, v1  }
0x28: {  	[tilespmem:s16+$0x8080] =	vst v4;
	v4 =	vld [tilespmem:s16+$0x480];
	v6 =	vmul.f32 v7, v1;
	v7 =	vmul.f32 v8, v1  }
0x29: {  	v8 =	vmul.f32 v10, v1;
	v10 =	vmul.f32 v11, v1;
	v11 =	vld [tilespmem:s16+$0x1C80];
	[tilespmem:s16+$0x8090] =	vst v3  }
0x2a: {  	v3 =	vld [tilespmem:s16+$0x490];
	[tilespmem:s16+$0x80A0] =	vst v5  }
0x2b: {  	v5 =	vld [tilespmem:s16+$0x4A0];
	[tilespmem:s16+$0x80B0] =	vst v6  }
0x2c: {  	v6 =	vld [tilespmem:s16+$0x4B0];
	[tilespmem:s16+$0x80C0] =	vst v7  }
0x2d: {  	v7 =	vld [tilespmem:s16+$0x4C0];
	[tilespmem:s16+$0x80D0] =	vst v8;
	v9 =	vmul.f32 v9, v1  }
0x2e: {  	v8 =	vld [tilespmem:s16+$0x4D0];
	[tilespmem:s16+$0x80E0] =	vst v10;
	v4 =	vmul.f32 v4, v1  }
0x2f: {  	v10 =	vld [tilespmem:s16+$0x4E0];
	[tilespmem:s16+$0x80F0] =	vst v9;
	v3 =	vmul.f32 v3, v1  }
0x30: {  	v9 =	vld [tilespmem:s16+$0x4F0];
	[tilespmem:s16+$0x8480] =	vst v4;
	v5 =	vmul.f32 v5, v1  }
0x31: {  	v4 =	vld [tilespmem:s16+$0x880];
	v6 =	vmul.f32 v6, v1;
	[tilespmem:s16+$0x8490] =	vst v3  }
0x32: {  	v7 =	vmul.f32 v7, v1;
	v3 =	vld [tilespmem:s16+$0x890];
	[tilespmem:s16+$0x84A0] =	vst v5  }
0x33: {  	v8 =	vmul.f32 v8, v1;
	v5 =	vld [tilespmem:s16+$0x8A0];
	[tilespmem:s16+$0x84B0] =	vst v6  }
0x34: {  	v10 =	vmul.f32 v10, v1;
	v6 =	vld [tilespmem:s16+$0x8B0];
	[tilespmem:s16+$0x84C0] =	vst v7  }
0x35: {  	v7 =	vld [tilespmem:s16+$0x8C0];
	[tilespmem:s16+$0x84D0] =	vst v8;
	v9 =	vmul.f32 v9, v1  }
0x36: {  	v8 =	vld [tilespmem:s16+$0x8D0];
	[tilespmem:s16+$0x84E0] =	vst v10;
	v4 =	vmul.f32 v4, v1  }
0x37: {  	v10 =	vld [tilespmem:s16+$0x8E0];
	[tilespmem:s16+$0x84F0] =	vst v9;
	v3 =	vmul.f32 v3, v1  }
0x38: {  	v9 =	vld [tilespmem:s16+$0x8F0];
	[tilespmem:s16+$0x8880] =	vst v4;
	v5 =	vmul.f32 v5, v1  }
0x39: {  	v4 =	vld [tilespmem:s16+$0xC80];
	v6 =	vmul.f32 v6, v1;
	[tilespmem:s16+$0x8890] =	vst v3  }
0x3a: {  	v7 =	vmul.f32 v7, v1;
	v3 =	vld [tilespmem:s16+$0xC90];
	[tilespmem:s16+$0x88A0] =	vst v5  }
0x3b: {  	v8 =	vmul.f32 v8, v1;
	v5 =	vld [tilespmem:s16+$0xCA0];
	[tilespmem:s16+$0x88B0] =	vst v6  }
0x3c: {  	v10 =	vmul.f32 v10, v1;
	v6 =	vld [tilespmem:s16+$0xCB0];
	[tilespmem:s16+$0x88C0] =	vst v7  }
0x3d: {  	v7 =	vld [tilespmem:s16+$0xCC0];
	[tilespmem:s16+$0x88D0] =	vst v8;
	v9 =	vmul.f32 v9, v1  }
0x3e: {  	v8 =	vld [tilespmem:s16+$0xCD0];
	[tilespmem:s16+$0x88E0] =	vst v10;
	v4 =	vmul.f32 v4, v1  }
0x3f: {  	v10 =	vld [tilespmem:s16+$0xCE0];
	[tilespmem:s16+$0x88F0] =	vst v9;
	v3 =	vmul.f32 v3, v1  }
0x40: {  	v9 =	vld [tilespmem:s16+$0xCF0];
	[tilespmem:s16+$0x8C80] =	vst v4;
	v5 =	vmul.f32 v5, v1  }
0x41: {  	v4 =	vld [tilespmem:s16+$0x1080];
	v6 =	vmul.f32 v6, v1;
	[tilespmem:s16+$0x8C90] =	vst v3  }
0x42: {  	v7 =	vmul.f32 v7, v1;
	v3 =	vld [tilespmem:s16+$0x1090];
	[tilespmem:s16+$0x8CA0] =	vst v5  }
0x43: {  	v8 =	vmul.f32 v8, v1;
	v5 =	vld [tilespmem:s16+$0x10A0];
	[tilespmem:s16+$0x8CB0] =	vst v6  }
0x44: {  	v10 =	vmul.f32 v10, v1;
	v6 =	vld [tilespmem:s16+$0x10B0];
	[tilespmem:s16+$0x8CC0] =	vst v7  }
0x45: {  	v7 =	vld [tilespmem:s16+$0x10C0];
	[tilespmem:s16+$0x8CD0] =	vst v8;
	v9 =	vmul.f32 v9, v1  }
0x46: {  	v8 =	vld [tilespmem:s16+$0x10D0];
	[tilespmem:s16+$0x8CE0] =	vst v10;
	v4 =	vmul.f32 v4, v1  }
0x47: {  	v10 =	vld [tilespmem:s16+$0x10E0];
	[tilespmem:s16+$0x8CF0] =	vst v9;
	v3 =	vmul.f32 v3, v1  }
0x48: {  	v9 =	vld [tilespmem:s16+$0x10F0];
	[tilespmem:s16+$0x9080] =	vst v4;
	v5 =	vmul.f32 v5, v1  }
0x49: {  	v4 =	vld [tilespmem:s16+$0x1480];
	v6 =	vmul.f32 v6, v1;
	[tilespmem:s16+$0x9090] =	vst v3  }
0x4a: {  	v7 =	vmul.f32 v7, v1;
	v3 =	vld [tilespmem:s16+$0x1490];
	[tilespmem:s16+$0x90A0] =	vst v5  }
0x4b: {  	v8 =	vmul.f32 v8, v1;
	v5 =	vld [tilespmem:s16+$0x14A0];
	[tilespmem:s16+$0x90B0] =	vst v6  }
0x4c: {  	v10 =	vmul.f32 v10, v1;
	v6 =	vld [tilespmem:s16+$0x14B0];
	[tilespmem:s16+$0x90C0] =	vst v7  }
0x4d: {  	v7 =	vld [tilespmem:s16+$0x14C0];
	[tilespmem:s16+$0x90D0] =	vst v8;
	v9 =	vmul.f32 v9, v1  }
0x4e: {  	v8 =	vld [tilespmem:s16+$0x14D0];
	[tilespmem:s16+$0x90E0] =	vst v10;
	v4 =	vmul.f32 v4, v1  }
0x4f: {  	v10 =	vld [tilespmem:s16+$0x14E0];
	[tilespmem:s16+$0x90F0] =	vst v9;
	v3 =	vmul.f32 v3, v1  }
0x50: {  	v9 =	vld [tilespmem:s16+$0x14F0];
	[tilespmem:s16+$0x9480] =	vst v4;
	v5 =	vmul.f32 v5, v1  }
0x51: {  	v4 =	vld [tilespmem:s16+$0x1880];
	v6 =	vmul.f32 v6, v1;
	[tilespmem:s16+$0x9490] =	vst v3  }
0x52: {  	v7 =	vmul.f32 v7, v1;
	v3 =	vld [tilespmem:s16+$0x1890];
	[tilespmem:s16+$0x94A0] =	vst v5  }
0x53: {  	v8 =	vmul.f32 v8, v1;
	v5 =	vld [tilespmem:s16+$0x18A0];
	[tilespmem:s16+$0x94B0] =	vst v6  }
0x54: {  	v10 =	vmul.f32 v10, v1;
	v6 =	vld [tilespmem:s16+$0x18B0];
	[tilespmem:s16+$0x94C0] =	vst v7  }
0x55: {  	v7 =	vld [tilespmem:s16+$0x18C0];
	[tilespmem:s16+$0x94D0] =	vst v8;
	v9 =	vmul.f32 v9, v1  }
0x56: {  	v8 =	vld [tilespmem:s16+$0x18D0];
	[tilespmem:s16+$0x94E0] =	vst v10;
	v4 =	vmul.f32 v4, v1  }
0x57: {  	v10 =	vld [tilespmem:s16+$0x18E0];
	[tilespmem:s16+$0x94F0] =	vst v9;
	v3 =	vmul.f32 v3, v1  }
0x58: {  	v9 =	vld [tilespmem:s16+$0x18F0];
	[tilespmem:s16+$0x9880] =	vst v4;
	v4 =	vmul.f32 v5, v1  }
0x59: {  	v5 =	vmul.f32 v6, v1;
	[tilespmem:s16+$0x9890] =	vst v3;
	v3 =	vld [tilespmem:s16+$0x1C90]  }
0x5a: {  	v6 =	vmul.f32 v7, v1;
	[tilespmem:s16+$0x98A0] =	vst v4;
	v4 =	vld [tilespmem:s16+$0x1CA0]  }
0x5b: {  	s30 =	simm.s32 $0x400;
	v7 =	vmul.f32 v8, v1;
	[tilespmem:s16+$0x98B0] =	vst v5;
	v5 =	vld [tilespmem:s16+$0x1CB0]  }
0x5c: {  	s31 =	sand.u32 $0x2000, s30;
	s17 =	simm.s32 $0x80;
	v8 =	vmul.f32 v10, v1;
	[tilespmem:s16+$0x98C0] =	vst v6;
	v6 =	vld [tilespmem:s16+$0x1CC0]  }
0x5d: {  	s19 =	sor.u32 s15, s31;
	s18 =	simm.s32 $0x800;
	s20 =	sand.u32 $0x380, s17;
	v10 =	vmul.f32 v11, v1;
	[tilespmem:s16+$0x98D0] =	vst v7;
	v7 =	vld.msk [tilespmem:s16+$0x1CE0], $0xff;
	v9 =	vmul.f32 v9, v1  }
.LBB2_3:
0x5e: {  	p0 =	sne.s32 s18, $0x3C00;
	s19 =	sor.u32 s20, s19;
	[tilespmem:s16+$0x98E0] =	vst v8;
	v3 =	vmul.f32 v3, v1  }
0x5f: {  	v8 =	vld [tilespmem:s19+$0x1CD0];
	[tilespmem:s16+$0x98F0] =	vst v9;
	v4 =	vmul.f32 v4, v1  }
0x60: {  	v9 =	vld [tilespmem:s19+$0x80];
	[tilespmem:s16+$0x9C80] =	vst v10;
	v5 =	vmul.f32 v5, v1  }
0x61: {  	v10 =	vld [tilespmem:s19+$0x90];
	[tilespmem:s16+$0x9C90] =	vst v3;
	v3 =	vmul.f32 v6, v1  }
0x62: {  	v6 =	vld [tilespmem:s19+$0xA0];
	[tilespmem:s16+$0x9CA0] =	vst v4;
	v4 =	vmul.f32 v2, v7  }
0x63: {  	v7 =	vld [tilespmem:s19+$0xB0];
	[tilespmem:s16+$0x9CB0] =	vst v5  }
0x64: {  	v5 =	vld [tilespmem:s19+$0xC0];
	v11 =	vmul.f32 v8, v1;
	[tilespmem:s16+$0x9CC0] =	vst v3  }
0x65: {  	v8 =	vmul.f32 v2, v8;
	v3 =	vmul.f32 v9, v1;
	v9 =	vld [tilespmem:s19+$0xD0];
	[tilespmem:s16+$0x9CE0] =	vst.msk $0xff, v4;
	s16 =	smov.u32 s19  }
0x66: {  	v4 =	vmul.f32 v10, v1;
	v10 =	vld [tilespmem:s16+$0xE0];
	[tilespmem:s16+$0x9CD0] =	vst v11  }
0x67: {  	v6 =	vmul.f32 v6, v1;
	v11 =	vld [tilespmem:s16+$0xF0];
	[tilespmem:s16+$0x9CD0] =	vst v8  }
0x68: {  	[tilespmem:s16+$0x8080] =	vst v3;
	v3 =	vmul.f32 v7, v1;
	v7 =	vld [tilespmem:s16+$0x480]  }
0x69: {  	[tilespmem:s16+$0x8090] =	vst v4;
	v4 =	vmul.f32 v5, v1;
	v5 =	vld [tilespmem:s16+$0x490]  }
0x6a: {  	[tilespmem:s16+$0x80A0] =	vst v6;
	v6 =	vmul.f32 v9, v1;
	v8 =	vld [tilespmem:s16+$0x4A0]  }
0x6b: {  	[tilespmem:s16+$0x80B0] =	vst v3;
	v3 =	vmul.f32 v10, v1;
	v9 =	vld [tilespmem:s16+$0x4B0]  }
0x6c: {  	[tilespmem:s16+$0x80C0] =	vst v4;
	v4 =	vmul.f32 v11, v1;
	v10 =	vld [tilespmem:s16+$0x4C0]  }
0x6d: {  	[tilespmem:s16+$0x80D0] =	vst v6;
	v6 =	vmul.f32 v7, v1;
	v7 =	vld [tilespmem:s16+$0x4D0]  }
0x6e: {  	[tilespmem:s16+$0x80E0] =	vst v3;
	v3 =	vmul.f32 v5, v1;
	v5 =	vld [tilespmem:s16+$0x4E0]  }
0x6f: {  	[tilespmem:s16+$0x80F0] =	vst v4;
	v4 =	vmul.f32 v8, v1;
	v8 =	vld [tilespmem:s16+$0x4F0]  }
0x70: {  	[tilespmem:s16+$0x8480] =	vst v6;
	v6 =	vmul.f32 v9, v1;
	v9 =	vld [tilespmem:s16+$0x880]  }
0x71: {  	[tilespmem:s16+$0x8490] =	vst v3;
	v3 =	vmul.f32 v10, v1;
	v10 =	vld [tilespmem:s16+$0x890]  }
0x72: {  	[tilespmem:s16+$0x84A0] =	vst v4;
	v4 =	vmul.f32 v7, v1;
	v7 =	vld [tilespmem:s16+$0x8A0]  }
0x73: {  	[tilespmem:s16+$0x84B0] =	vst v6;
	v5 =	vmul.f32 v5, v1;
	v6 =	vld [tilespmem:s16+$0x8B0]  }
0x74: {  	[tilespmem:s16+$0x84C0] =	vst v3;
	v3 =	vmul.f32 v8, v1;
	v8 =	vld [tilespmem:s16+$0x8C0]  }
0x75: {  	[tilespmem:s16+$0x84D0] =	vst v4;
	v4 =	vmul.f32 v9, v1;
	v9 =	vld [tilespmem:s16+$0x8D0]  }
0x76: {  	[tilespmem:s16+$0x84E0] =	vst v5;
	v5 =	vmul.f32 v10, v1;
	v10 =	vld [tilespmem:s16+$0x8E0]  }
0x77: {  	[tilespmem:s16+$0x84F0] =	vst v3;
	v3 =	vmul.f32 v7, v1;
	v7 =	vld [tilespmem:s16+$0x8F0]  }
0x78: {  	[tilespmem:s16+$0x8880] =	vst v4;
	v4 =	vmul.f32 v6, v1;
	v6 =	vld [tilespmem:s16+$0xC80]  }
0x79: {  	[tilespmem:s16+$0x8890] =	vst v5;
	v5 =	vmul.f32 v8, v1;
	v8 =	vld [tilespmem:s16+$0xC90]  }
0x7a: {  	[tilespmem:s16+$0x88A0] =	vst v3;
	v3 =	vmul.f32 v9, v1;
	v9 =	vld [tilespmem:s16+$0xCA0]  }
0x7b: {  	[tilespmem:s16+$0x88B0] =	vst v4;
	v4 =	vmul.f32 v10, v1;
	v10 =	vld [tilespmem:s16+$0xCB0]  }
0x7c: {  	[tilespmem:s16+$0x88C0] =	vst v5;
	v5 =	vmul.f32 v7, v1;
	v7 =	vld [tilespmem:s16+$0xCC0]  }
0x7d: {  	[tilespmem:s16+$0x88D0] =	vst v3;
	v3 =	vmul.f32 v6, v1;
	v6 =	vld [tilespmem:s16+$0xCD0]  }
0x7e: {  	[tilespmem:s16+$0x88E0] =	vst v4;
	v4 =	vmul.f32 v8, v1;
	v8 =	vld [tilespmem:s16+$0xCE0]  }
0x7f: {  	[tilespmem:s16+$0x88F0] =	vst v5;
	v5 =	vmul.f32 v9, v1;
	v9 =	vld [tilespmem:s16+$0xCF0]  }
0x80: {  	[tilespmem:s16+$0x8C80] =	vst v3;
	v3 =	vmul.f32 v10, v1;
	v10 =	vld [tilespmem:s16+$0x1080]  }
0x81: {  	[tilespmem:s16+$0x8C90] =	vst v4;
	v4 =	vmul.f32 v7, v1;
	v7 =	vld [tilespmem:s16+$0x1090]  }
0x82: {  	[tilespmem:s16+$0x8CA0] =	vst v5;
	v5 =	vmul.f32 v6, v1;
	v6 =	vld [tilespmem:s16+$0x10A0]  }
0x83: {  	[tilespmem:s16+$0x8CB0] =	vst v3;
	v3 =	vmul.f32 v8, v1;
	v8 =	vld [tilespmem:s16+$0x10B0]  }
0x84: {  	[tilespmem:s16+$0x8CC0] =	vst v4;
	v4 =	vmul.f32 v9, v1;
	v9 =	vld [tilespmem:s16+$0x10C0]  }
0x85: {  	[tilespmem:s16+$0x8CD0] =	vst v5;
	v5 =	vmul.f32 v10, v1;
	v10 =	vld [tilespmem:s16+$0x10D0]  }
0x86: {  	[tilespmem:s16+$0x8CE0] =	vst v3;
	v3 =	vmul.f32 v7, v1;
	v7 =	vld [tilespmem:s16+$0x10E0]  }
0x87: {  	[tilespmem:s16+$0x8CF0] =	vst v4;
	v4 =	vmul.f32 v6, v1;
	v6 =	vld [tilespmem:s16+$0x10F0]  }
0x88: {  	[tilespmem:s16+$0x9080] =	vst v5;
	v5 =	vmul.f32 v8, v1;
	v8 =	vld [tilespmem:s16+$0x1480]  }
0x89: {  	[tilespmem:s16+$0x9090] =	vst v3;
	v3 =	vmul.f32 v9, v1;
	v9 =	vld [tilespmem:s16+$0x1490]  }
0x8a: {  	[tilespmem:s16+$0x90A0] =	vst v4;
	v4 =	vmul.f32 v10, v1;
	v10 =	vld [tilespmem:s16+$0x14A0]  }
0x8b: {  	[tilespmem:s16+$0x90B0] =	vst v5;
	v5 =	vmul.f32 v7, v1;
	v7 =	vld [tilespmem:s16+$0x14B0]  }
0x8c: {  	[tilespmem:s16+$0x90C0] =	vst v3;
	v3 =	vmul.f32 v6, v1;
	v6 =	vld [tilespmem:s16+$0x14C0]  }
0x8d: {  	[tilespmem:s16+$0x90D0] =	vst v4;
	v4 =	vmul.f32 v8, v1;
	v8 =	vld [tilespmem:s16+$0x14D0]  }
0x8e: {  	[tilespmem:s16+$0x90E0] =	vst v5;
	v5 =	vmul.f32 v9, v1;
	v9 =	vld [tilespmem:s16+$0x14E0]  }
0x8f: {  	[tilespmem:s16+$0x90F0] =	vst v3;
	v3 =	vmul.f32 v10, v1;
	v10 =	vld [tilespmem:s16+$0x14F0]  }
0x90: {  	[tilespmem:s16+$0x9480] =	vst v4;
	v4 =	vmul.f32 v7, v1;
	v7 =	vld [tilespmem:s16+$0x1880]  }
0x91: {  	[tilespmem:s16+$0x9490] =	vst v5;
	v5 =	vmul.f32 v6, v1;
	v6 =	vld [tilespmem:s16+$0x1890]  }
0x92: {  	[tilespmem:s16+$0x94A0] =	vst v3;
	v3 =	vmul.f32 v8, v1;
	v8 =	vld [tilespmem:s16+$0x18A0]  }
0x93: {  	[tilespmem:s16+$0x94B0] =	vst v4;
	v4 =	vmul.f32 v9, v1;
	v9 =	vld [tilespmem:s16+$0x18B0]  }
0x94: {  	[tilespmem:s16+$0x94C0] =	vst v5;
	v5 =	vmul.f32 v10, v1;
	v10 =	vld [tilespmem:s16+$0x18C0]  }
0x95: {  	[tilespmem:s16+$0x94D0] =	vst v3;
	v3 =	vmul.f32 v7, v1;
	v7 =	vld [tilespmem:s16+$0x18D0]  }
0x96: {  	[tilespmem:s16+$0x94E0] =	vst v4;
	v4 =	vmul.f32 v6, v1;
	v6 =	vld [tilespmem:s16+$0x18E0]  }
0x97: {  	[tilespmem:s16+$0x94F0] =	vst v5;
	v5 =	vmul.f32 v8, v1;
	v11 =	vld [tilespmem:s16+$0x18F0]  }
0x98: {  	[tilespmem:s16+$0x9880] =	vst v3;
	v8 =	vmul.f32 v9, v1;
	v12 =	vld [tilespmem:s16+$0x1C80]  }
.Ltmp0:
0x99: {  	[tilespmem:s16+$0x9890] =	vst v4;
	v9 =	vmul.f32 v10, v1;
	v3 =	vld [tilespmem:s16+$0x1C90];
	(pc) =	sbr.rel @p0 .LBB2_3-.Ltmp0, $4  }
0x9a: {  	[tilespmem:s16+$0x98A0] =	vst v5;
	v7 =	vmul.f32 v7, v1;
	v4 =	vld [tilespmem:s16+$0x1CA0]  }
0x9b: {  	[tilespmem:s16+$0x98B0] =	vst v8;
	v8 =	vmul.f32 v6, v1;
	v5 =	vld [tilespmem:s16+$0x1CB0]  }
0x9c: {  	s17 =	sadd.s32 $0x80, s17;
	s19 =	sand.u32 $0x2000, s18;
	[tilespmem:s16+$0x98C0] =	vst v9;
	v9 =	vmul.f32 v11, v1;
	v6 =	vld [tilespmem:s16+$0x1CC0]  }
0x9d: {  	s20 =	sand.u32 $0x380, s17;
	s18 =	sadd.s32 $0x400, s18;
	s19 =	sor.u32 s15, s19;
	[tilespmem:s16+$0x98D0] =	vst v7;
	v10 =	vmul.f32 v12, v1;
	v7 =	vld.msk [tilespmem:s16+$0x1CE0], $0xff  }
0x9e: {  	s17 =	sor.u32 s20, s19;
	[tilespmem:s16+$0x98E0] =	vst v8  }
0x9f: {  	v3 =	vmul.f32 v3, v1;
	v8 =	vld [tilespmem:s17+$0x1CD0];
	[tilespmem:s16+$0x98F0] =	vst v9  }
0xa0: {  	v4 =	vmul.f32 v4, v1;
	v9 =	vld [tilespmem:s17+$0x80];
	[tilespmem:s16+$0x9C80] =	vst v10  }
0xa1: {  	v5 =	vmul.f32 v5, v1;
	v10 =	vld [tilespmem:s17+$0x90];
	[tilespmem:s16+$0x9C90] =	vst v3  }
0xa2: {  	v6 =	vmul.f32 v6, v1;
	v3 =	vld [tilespmem:s17+$0xA0];
	[tilespmem:s16+$0x9CA0] =	vst v4  }
0xa3: {  	v7 =	vmul.f32 v2, v7;
	v4 =	vld [tilespmem:s17+$0xB0];
	[tilespmem:s16+$0x9CB0] =	vst v5  }
0xa4: {  	v5 =	vld [tilespmem:s17+$0xC0];
	[tilespmem:s16+$0x9CC0] =	vst v6;
	v19 =	vmul.f32 v8, v1  }
0xa5: {  	v8 =	vmul.f32 v2, v8;
	v11 =	vld [tilespmem:s17+$0xD0];
	[tilespmem:s16+$0x9CE0] =	vst.msk $0xff, v7  }
0xa6: {  	v20 =	vmul.f32 v9, v1;
	[tilespmem:s17+$0x9CD0] =	vst v19  }
0xa7: {  	v21 =	vmul.f32 v10, v1;
	v22 =	vld [tilespmem:s17+$0xE0];
	[tilespmem:s17+$0x9CD0] =	vst v8  }
0xa8: {  	v23 =	vld [tilespmem:s17+$0xF0];
	v3 =	vmul.f32 v3, v1;
	[tilespmem:s17+$0x8080] =	vst v20  }
0xa9: {  	v25 =	vld [tilespmem:s17+$0x490];
	v4 =	vmul.f32 v4, v1;
	[tilespmem:s17+$0x8090] =	vst v21  }
0xaa: {  	v26 =	vld [tilespmem:s17+$0x4A0];
	v5 =	vmul.f32 v5, v1;
	[tilespmem:s17+$0x80A0] =	vst v3  }
0xab: {  	v30 =	vld [tilespmem:s17+$0x4C0];
	v3 =	vmul.f32 v11, v1;
	[tilespmem:s17+$0x80B0] =	vst v4  }
0xac: {  	v31 =	vld [tilespmem:s17+$0x4D0];
	v27 =	vmul.f32 v22, v1;
	[tilespmem:s17+$0x80C0] =	vst v5  }
0xad: {  	v35 =	vld [tilespmem:s17+$0x4F0];
	v29 =	vmul.f32 v23, v1;
	[tilespmem:s17+$0x80D0] =	vst v3  }
0xae: {  	v36 =	vld [tilespmem:s17+$0x880];
	v32 =	vmul.f32 v25, v1;
	[tilespmem:s17+$0x80E0] =	vst v27  }
0xaf: {  	v40 =	vld [tilespmem:s17+$0x8A0];
	v34 =	vmul.f32 v26, v1;
	[tilespmem:s17+$0x80F0] =	vst v29  }
0xb0: {  	v41 =	vld [tilespmem:s17+$0x8B0];
	v37 =	vmul.f32 v30, v1;
	[tilespmem:s17+$0x8490] =	vst v32  }
0xb1: {  	v45 =	vld [tilespmem:s17+$0x8D0];
	v39 =	vmul.f32 v31, v1;
	[tilespmem:s17+$0x84A0] =	vst v34  }
0xb2: {  	v46 =	vld [tilespmem:s17+$0x8E0];
	v42 =	vmul.f32 v35, v1;
	[tilespmem:s17+$0x84C0] =	vst v37  }
0xb3: {  	v50 =	vld [tilespmem:s17+$0xC80];
	v44 =	vmul.f32 v36, v1;
	[tilespmem:s17+$0x84D0] =	vst v39  }
0xb4: {  	v51 =	vld [tilespmem:s17+$0xC90];
	v47 =	vmul.f32 v40, v1;
	[tilespmem:s17+$0x84F0] =	vst v42  }
0xb5: {  	v55 =	vld [tilespmem:s17+$0xCB0];
	v49 =	vmul.f32 v41, v1;
	[tilespmem:s17+$0x8880] =	vst v44  }
0xb6: {  	v56 =	vld [tilespmem:s17+$0xCC0];
	v52 =	vmul.f32 v45, v1;
	[tilespmem:s17+$0x88A0] =	vst v47  }
0xb7: {  	v60 =	vld [tilespmem:s17+$0xCE0];
	v54 =	vmul.f32 v46, v1;
	[tilespmem:s17+$0x88B0] =	vst v49  }
0xb8: {  	v61 =	vld [tilespmem:s17+$0xCF0];
	v57 =	vmul.f32 v50, v1;
	[tilespmem:s17+$0x88D0] =	vst v52  }
0xb9: {  	v13 =	vld [tilespmem:s17+$0x1090];
	v59 =	vmul.f32 v51, v1;
	[tilespmem:s17+$0x88E0] =	vst v54  }
0xba: {  	v14 =	vld [tilespmem:s17+$0x10A0];
	v62 =	vmul.f32 v55, v1;
	[tilespmem:s17+$0x8C80] =	vst v57  }
0xbb: {  	v24 =	vld [tilespmem:s17+$0x480];
	v12 =	vmul.f32 v56, v1;
	[tilespmem:s17+$0x8C90] =	vst v59  }
0xbc: {  	v18 =	vld [tilespmem:s17+$0x10C0];
	v15 =	vmul.f32 v60, v1;
	[tilespmem:s17+$0x8CB0] =	vst v62  }
0xbd: {  	v28 =	vld [tilespmem:s17+$0x4B0];
	v17 =	vmul.f32 v61, v1;
	[tilespmem:s17+$0x8CC0] =	vst v12  }
0xbe: {  	v19 =	vld [tilespmem:s17+$0x10D0];
	v20 =	vmul.f32 v13, v1;
	[tilespmem:s17+$0x8CE0] =	vst v15  }
0xbf: {  	v33 =	vld [tilespmem:s17+$0x4E0];
	v22 =	vmul.f32 v14, v1;
	[tilespmem:s17+$0x8CF0] =	vst v17  }
0xc0: {  	v23 =	vld [tilespmem:s17+$0x10F0];
	v3 =	vmul.f32 v24, v1;
	[tilespmem:s17+$0x9090] =	vst v20  }
0xc1: {  	v25 =	vmul.f32 v18, v1;
	v24 =	vld [tilespmem:s17+$0x1480];
	[tilespmem:s17+$0x90A0] =	vst v22  }
0xc2: {  	v38 =	vld [tilespmem:s17+$0x890];
	[tilespmem:s17+$0x8480] =	vst v3;
	v3 =	vmul.f32 v28, v1  }
0xc3: {  	v27 =	vmul.f32 v19, v1;
	v29 =	vld [tilespmem:s17+$0x14B0];
	[tilespmem:s17+$0x90C0] =	vst v25  }
0xc4: {  	v43 =	vld [tilespmem:s17+$0x8C0];
	[tilespmem:s17+$0x84B0] =	vst v3;
	v3 =	vmul.f32 v33, v1  }
0xc5: {  	v34 =	vld [tilespmem:s17+$0x14E0];
	[tilespmem:s17+$0x90D0] =	vst v27;
	v30 =	vmul.f32 v23, v1  }
0xc6: {  	v48 =	vld [tilespmem:s17+$0x8F0];
	v32 =	vmul.f32 v24, v1;
	[tilespmem:s17+$0x84E0] =	vst v3  }
0xc7: {  	v39 =	vld [tilespmem:s17+$0x1890];
	v3 =	vmul.f32 v38, v1;
	[tilespmem:s17+$0x90F0] =	vst v30  }
0xc8: {  	v53 =	vld [tilespmem:s17+$0xCA0];
	v37 =	vmul.f32 v29, v1;
	[tilespmem:s17+$0x9480] =	vst v32  }
0xc9: {  	v44 =	vld [tilespmem:s17+$0x18C0];
	[tilespmem:s17+$0x8890] =	vst v3;
	v3 =	vmul.f32 v43, v1  }
0xca: {  	v58 =	vld [tilespmem:s17+$0xCD0];
	v42 =	vmul.f32 v34, v1;
	[tilespmem:s17+$0x94B0] =	vst v37  }
0xcb: {  	v49 =	vld [tilespmem:s17+$0x18F0];
	[tilespmem:s17+$0x88C0] =	vst v3;
	v3 =	vmul.f32 v48, v1  }
0xcc: {  	v63 =	vld [tilespmem:s17+$0x1080];
	v47 =	vmul.f32 v39, v1;
	[tilespmem:s17+$0x94E0] =	vst v42  }
0xcd: {  	v54 =	vld [tilespmem:s17+$0x1CA0];
	[tilespmem:s17+$0x88F0] =	vst v3;
	v3 =	vmul.f32 v53, v1  }
0xce: {  	v16 =	vld [tilespmem:s17+$0x10B0];
	v52 =	vmul.f32 v44, v1;
	[tilespmem:s17+$0x9890] =	vst v47  }
0xcf: {  	v28 =	vld [tilespmem:s17+$0x14A0];
	[tilespmem:s17+$0x8CA0] =	vst v3;
	v3 =	vmul.f32 v58, v1  }
0xd0: {  	v21 =	vld [tilespmem:s17+$0x10E0];
	v57 =	vmul.f32 v49, v1;
	[tilespmem:s17+$0x98C0] =	vst v52  }
0xd1: {  	v33 =	vld [tilespmem:s17+$0x14D0];
	[tilespmem:s17+$0x8CD0] =	vst v3;
	v3 =	vmul.f32 v63, v1  }
0xd2: {  	v26 =	vld [tilespmem:s17+$0x1490];
	v61 =	vmul.f32 v54, v1;
	[tilespmem:s17+$0x98F0] =	vst v57  }
0xd3: {  	v38 =	vld [tilespmem:s17+$0x1880];
	[tilespmem:s17+$0x9080] =	vst v3;
	v3 =	vmul.f32 v16, v1  }
0xd4: {  	v31 =	vld [tilespmem:s17+$0x14C0];
	v35 =	vmul.f32 v28, v1;
	[tilespmem:s17+$0x9CA0] =	vst v61  }
0xd5: {  	v43 =	vld [tilespmem:s17+$0x18B0];
	[tilespmem:s17+$0x90B0] =	vst v3;
	v3 =	vmul.f32 v21, v1  }
0xd6: {  	v36 =	vld [tilespmem:s17+$0x14F0];
	[tilespmem:s17+$0x94A0] =	vst v35;
	v40 =	vmul.f32 v33, v1  }
0xd7: {  	v48 =	vld [tilespmem:s17+$0x18E0];
	[tilespmem:s17+$0x90E0] =	vst v3;
	v3 =	vmul.f32 v26, v1  }
0xd8: {  	v41 =	vld [tilespmem:s17+$0x18A0];
	[tilespmem:s17+$0x94D0] =	vst v40;
	v45 =	vmul.f32 v38, v1  }
0xd9: {  	v59 =	vld.msk [tilespmem:s17+$0x1CE0], $0xff;
	[tilespmem:s17+$0x9490] =	vst v3;
	v3 =	vmul.f32 v31, v1  }
0xda: {  	v46 =	vld [tilespmem:s17+$0x18D0];
	[tilespmem:s17+$0x9880] =	vst v45;
	v50 =	vmul.f32 v43, v1  }
0xdb: {  	v53 =	vld [tilespmem:s17+$0x1C90];
	[tilespmem:s17+$0x94C0] =	vst v3;
	v3 =	vmul.f32 v36, v1  }
0xdc: {  	v51 =	vld [tilespmem:s17+$0x1C80];
	[tilespmem:s17+$0x98B0] =	vst v50;
	v55 =	vmul.f32 v48, v1  }
0xdd: {  	v58 =	vld [tilespmem:s17+$0x1CC0];
	[tilespmem:s17+$0x94F0] =	vst v3;
	v3 =	vmul.f32 v41, v1  }
0xde: {  	v56 =	vld [tilespmem:s17+$0x1CB0];
	v63 =	vmul.f32 v2, v59;
	[tilespmem:s17+$0x98E0] =	vst v55  }
0xdf: {  	[tilespmem:s17+$0x98A0] =	vst v3;
	v3 =	vmul.f32 v46, v1  }
0xe0: {  	v60 =	vmul.f32 v53, v1;
	[tilespmem:s17+$0x9CE0] =	vst.msk $0xff, v63  }
0xe1: {  	[tilespmem:s17+$0x98D0] =	vst v3;
	v3 =	vmul.f32 v51, v1  }
0xe2: {  	p0 =	sne.s32 s13, $0x20;
	[tilespmem:s17+$0x9C90] =	vst v60;
	v62 =	vmul.f32 v58, v1  }
.Ltmp1:
0xe3: {  	[tilespmem:s17+$0x9C80] =	vst v3;
	v3 =	vmul.f32 v56, v1;
	(pc) =	sbr.rel @p0 .LBB2_2-.Ltmp1, $4  }
0xe4: {  	s12 =	sshll.u32 s12, $0xB;
	[tilespmem:s17+$0x9CC0] =	vst v62  }
0xe5: {  	s15 =	sor.u32 $0x8080, s15;
	s14 =	sadd.s32 $0x3, s14;
	s12 =	sadd.s32 s12, s5;
	[tilespmem:s17+$0x9CB0] =	vst v3  }
0xe6: {  	[hbm4b:s12+s3] =	stream.linear.scatter [tilespmem:s15], [sflag:s14], $0x4000, $0x38;
	[tilespmem:$0x10080] =	vst v63  }
0xe7: {  	s12 =	smov.u32 s13  }
0xe8: {  	s11 =	sadd.s32 $0x1, s11  }
0xe9: {  	_ =	swait.ge [sflag:s9], $0x4000;
	p0 =	sne.s32 s11, s6  }
.Ltmp2:
0xea: {  	[sflag:s9] =	ssyncset.done $0x0;
	(pc) =	sbr.rel @p0 .LBB2_1-.Ltmp2, $4  }
0xeb: {  	[sflag:s9] =	ssyncadd.s32 $0xFFFFC000  }
0xec: {  	_ =	swait.ge [sflag:s10], $0x4000  }
0xed: {  	[sflag:s10] =	ssyncset.done $0x0  }
0xee: {  	[sflag:s10] =	ssyncadd.s32 $0xFFFFC000  }
0xef: {  	_ =	sfence.sel $0x180000  }
0xf0: {  	[bflag:$0x0] =	sbarrier.arrive $0xFFFF  }
0xf1: {  	p0 =	sne.s32 s1, $0x0;
	_ =	strace $0x90000047  }
0xf2: {  	s0 =	sadd.s32 @!p0 $0x100000, s0;
	[bflag:$0x2] =	sbarrier.arrive $0xFFFF  }
0xf3: {  	[sflag:s0] =	ssyncadd.tile.s32 @!p0 $0x1;
	_ =	shalt  }
.Lfunc_end2:
_tile_overlayer_lowered:
.L_overlay_start_2:
0xf4: {  	(tag) =	ssettag $0x2  }
0xf5: {  	s0 =	rddreg [dreg:$0x0];
	s2 =	stileid.u32  }
0xf6: {  	s1 =	rddreg [dreg:$0x1];
	p0 =	sne.s32 s2, $0x0  }
0xf7: {  	s3 =	rddreg [dreg:$0x2];
	[bflag:$0x3] =	sbarrier.arrive $0xFFFF;
	s2 =	simm.s32 @!p0 $0x1C05  }
0xf8: {  	[timem:s3], [sflag:s2] =	dma.local @!p0 [hbm:s0], s1  }
0xf9: {  	s0 =	simm.s32 @!p0 $0x5  }
0xfa: {  	_ =	swait.ge @!p0 [sflag:s0], s1  }
0xfb: {  	s1 =	ssub.s32 @!p0 $0x0, s1;
	[sflag:s0] =	ssyncset.done @!p0 $0x0  }
0xfc: {  	[sflag:s0] =	ssyncadd.s32 @!p0 s1  }
0xfd: {  	[bflag:$0x3] =	sbarrier.arrive $0xFFFF  }
0xfe: {  	_ =	shalt  }

</sc_bundles>
